<compile_context>
chip_gen: v7x
topology: tpu7x:2x2x1
jax: 0.10.2.dev20260603
libtpu: 0.0.44.dev20260713+nightly
codegen_flags: <defaults>
</compile_context>

<pallas_src>
import jax
import jax.numpy as jnp
from jax import lax
from jax.experimental import pallas as pl
from jax.experimental.pallas import tpu as pltpu
from jax.experimental.pallas import tpu_sc as plsc

N_FRAMES = 1024
N_Q, BINS, DIM = 8, 512, 32
F_TILE = 512

NUM_CORES = 2
NUM_SUBCORES = 16
NUM_WORKERS = NUM_CORES * NUM_SUBCORES
N_GATHER = 2 * N_FRAMES * N_Q
K_PER_W = N_GATHER // NUM_WORKERS


def _dsum(t):
    return jnp.sum(t, axis=-1, keepdims=True)


def _top2_body(x_ref, cbt_ref, i1_ref, i2_ref, if1_ref, if2_ref):
    xv = x_ref[...]
    cbt = cbt_ref[...]
    cn2 = jnp.sum(cbt * cbt, axis=0, keepdims=True)
    xc = lax.dot_general(xv, cbt, (((1,), (0,)), ((), ())),
                         precision=lax.Precision.HIGHEST,
                         preferred_element_type=jnp.float32)
    scores = cn2 - 2.0 * xc
    iota = lax.broadcasted_iota(jnp.int32, (F_TILE, BINS), 1)
    i1c, i2c, if1c, if2c = [], [], [], []
    for q in range(N_Q):
        sq = scores[:, q * BINS:(q + 1) * BINS]
        m1 = jnp.min(sq, axis=-1, keepdims=True)
        i1 = jnp.min(jnp.where(sq == m1, iota, BINS), axis=-1, keepdims=True)
        sq2 = jnp.where(iota == i1, jnp.inf, sq)
        m2 = jnp.min(sq2, axis=-1, keepdims=True)
        i2 = jnp.min(jnp.where(sq2 == m2, iota, BINS), axis=-1, keepdims=True)
        i1c.append(i1)
        i2c.append(i2)
        if1c.append(i1 + q * BINS)
        if2c.append(i2 + q * BINS)
    i1_ref[...] = jnp.concatenate(i1c, axis=1)
    i2_ref[...] = jnp.concatenate(i2c, axis=1)
    if1_ref[...] = jnp.concatenate(if1c, axis=1)
    if2_ref[...] = jnp.concatenate(if2c, axis=1)


def _top2_call(x_flat, cb_t):
    out = jax.ShapeDtypeStruct((N_FRAMES, N_Q), jnp.int32)
    return pl.pallas_call(
        _top2_body,
        grid=(N_FRAMES // F_TILE,),
        in_specs=[
            pl.BlockSpec((F_TILE, DIM), lambda i: (i, 0)),
            pl.BlockSpec((DIM, N_Q * BINS), lambda i: (0, 0)),
        ],
        out_specs=[pl.BlockSpec((F_TILE, N_Q), lambda i: (i, 0))] * 4,
        out_shape=[out] * 4,
        compiler_params=pltpu.CompilerParams(
            dimension_semantics=("arbitrary",)),
    )(x_flat, cb_t)


def _gather_body(table_hbm, idx_hbm, out_hbm, idx_v, rows_v, sem):
    wid = lax.axis_index("s") * NUM_CORES + lax.axis_index("c")
    base = wid * K_PER_W
    pltpu.sync_copy(idx_hbm.at[pl.ds(base, K_PER_W)], idx_v)
    pltpu.async_copy(table_hbm.at[idx_v], rows_v, sem).wait()
    pltpu.sync_copy(rows_v, out_hbm.at[pl.ds(base, K_PER_W)])


def _gather_call(table, idx_flat):
    mesh = plsc.VectorSubcoreMesh(core_axis_name="c", subcore_axis_name="s")
    return pl.kernel(
        _gather_body,
        mesh=mesh,
        out_type=jax.ShapeDtypeStruct((N_GATHER, DIM), jnp.float32),
        scratch_types=[
            pltpu.VMEM((K_PER_W,), jnp.int32),
            pltpu.VMEM((K_PER_W, DIM), jnp.float32),
            pltpu.SemaphoreType.DMA,
        ],
        compiler_params=pltpu.CompilerParams(use_tc_tiling_on_sc=False),
    )(table, idx_flat)


def _rescue_body(x_ref, r1_ref, r2_ref, i1_ref, i2_ref,
                 idx_ref, qst_ref, loss_ref):
    xv = x_ref[...]
    idx_cols = []
    quant = None
    for q in range(N_Q):
        c1 = r1_ref[q]
        c2 = r2_ref[q]
        t1 = xv - c1
        t2 = xv - c2
        d1 = _dsum(t1 * t1)
        d2 = _dsum(t2 * t2)
        i1 = i1_ref[:, q:q + 1]
        i2 = i2_ref[:, q:q + 1]
        use1 = (d1 < d2) | ((d1 == d2) & (i1 < i2))
        idx_cols.append(jnp.where(use1, i1, i2))
        csel = jnp.where(use1, c1, c2)
        quant = csel if quant is None else quant + csel
    idx_ref[...] = jnp.concatenate(idx_cols, axis=1)
    dlt = quant - xv
    qst_ref[...] = xv + dlt
    loss_ref[0, 0] = jnp.sum(dlt * dlt) * (2.0 / (N_FRAMES * DIM))


def _rescue_call(x_flat, rows1, rows2, i1, i2):
    full = lambda s: pl.BlockSpec(s, lambda: tuple(0 for _ in s))
    return pl.pallas_call(
        _rescue_body,
        in_specs=[
            full((N_FRAMES, DIM)),
            full((N_Q, N_FRAMES, DIM)),
            full((N_Q, N_FRAMES, DIM)),
            full((N_FRAMES, N_Q)),
            full((N_FRAMES, N_Q)),
        ],
        out_specs=[
            full((N_FRAMES, N_Q)),
            full((N_FRAMES, DIM)),
            pl.BlockSpec(memory_space=pltpu.SMEM),
        ],
        out_shape=[
            jax.ShapeDtypeStruct((N_FRAMES, N_Q), jnp.int32),
            jax.ShapeDtypeStruct((N_FRAMES, DIM), jnp.float32),
            jax.ShapeDtypeStruct((1, 1), jnp.float32),
        ],
    )(x_flat, rows1, rows2, i1, i2)


def kernel(x, sample_rate, bandwidth, codebook):
    b, c, t = x.shape
    x_flat = jnp.transpose(x, (0, 2, 1)).reshape(-1, c)
    cb_t = jnp.transpose(codebook, (2, 0, 1)).reshape(DIM, N_Q * BINS)
    i1, i2, if1, if2 = _top2_call(x_flat, cb_t)
    idx_flat = jnp.concatenate(
        [jnp.transpose(if1).reshape(-1), jnp.transpose(if2).reshape(-1)])
    table = codebook.reshape(N_Q * BINS, DIM)
    rows = _gather_call(table, idx_flat)
    rows1 = rows[:N_FRAMES * N_Q].reshape(N_Q, N_FRAMES, DIM)
    rows2 = rows[N_FRAMES * N_Q:].reshape(N_Q, N_FRAMES, DIM)
    indices, qst_flat, loss11 = _rescue_call(x_flat, rows1, rows2, i1, i2)
    quantized_st = jnp.transpose(qst_flat.reshape(b, t, c), (0, 2, 1))
    return quantized_st, indices, loss11[0, 0]

# --- scband reference (transcript-rebuilt; emitter-appended) ---
"""Pipeline reference for scband-neural-residual-vector-quantizer-1108101562603 (READ-ONLY COPY).

The authoritative reference and input builder live on the scoring server;
editing this copy changes nothing except your own understanding.
"""

import jax, jax.numpy as jnp
import numpy as np

B, C, T = 4, 32, 256
N_Q, BINS, DIM = 8, 512, 32

def setup_inputs(seed: int = 0) -> dict:
    key = jax.random.key(seed)
    k1, k2 = jax.random.split(key)
    x = jax.random.normal(k1, (B, C, T), dtype=jnp.float32)
    codebook = jax.random.normal(k2, (N_Q, BINS, DIM), dtype=jnp.float32)
    return {"x": x, "sample_rate": 24000, "bandwidth": 6, "codebook": codebook}

def reference(x, sample_rate, bandwidth, codebook):
    b, c, t = x.shape
    n_q, bins, dim = codebook.shape
    # x: [B, C, T] -> [B*T, C]
    x_flat = jnp.transpose(x, (0, 2, 1)).reshape(-1, c)
    # Faithful expanded distance computation: [N, n_q, bins, C]
    diff = x_flat[:, None, None, :] - codebook[None, :, :, :]
    distances = jnp.sum(diff ** 2, axis=-1)  # [N, n_q, bins]
    indices = jnp.argmin(distances, axis=-1)  # [N, n_q]
    quantized = jnp.zeros_like(x_flat)
    for i in range(n_q):
        quantized = quantized + codebook[i][indices[:, i]]  # gather per quantizer stage
    quantized = jnp.transpose(quantized.reshape(b, t, c), (0, 2, 1))
    commitment_loss = jnp.mean((jax.lax.stop_gradient(quantized) - x) ** 2)
    codebook_loss = jnp.mean((quantized - jax.lax.stop_gradient(x)) ** 2)
    loss = commitment_loss + codebook_loss
    quantized_st = x + jax.lax.stop_gradient(quantized - x)
    return quantized_st, indices, loss

if __name__ == "__main__":
    import jax
    _d = setup_inputs()
    print(jax.jit(kernel)(*tuple(_d.values())))

</pallas_src>

<mosaic_0001>
#map = affine_map<(d0, d1) -> (0, 0)>
#map1 = affine_map<(d0, d1) -> (0)>
module attributes {stable_mosaic.version = 14 : i64} {
  func.func @_gather_body(%arg0: i32, %arg1: i32, %arg2: memref<4096x32xf32, #tpu.memory_space<hbm>>, %arg3: memref<16384xi32, #tpu.memory_space<hbm>>, %arg4: memref<16384x32xf32, #tpu.memory_space<hbm>>, %arg5: memref<512xi32, #tpu.memory_space<vmem>>, %arg6: memref<512x32xf32, #tpu.memory_space<vmem>>, %arg7: memref<!tpu.dma_semaphore, #tpu.memory_space<semaphore_mem>>) attributes {dimension_semantics = [#tpu.dimension_semantics<core_parallel>, #tpu.dimension_semantics<subcore_parallel>], iteration_bounds = array<i64: 2, 16>, scalar_prefetch = 0 : i64, scratch_operands = 3 : i64, tpu.core_type = #tpu.core_type<sc_vector_subcore>, window_params = [{transform_indices = #map}, {transform_indices = #map1}, {transform_indices = #map}]} {
    %mul3A = arith.constant 2 : i32
    %mul3A_0 = arith.muli %arg1, %mul3A : i32
    %add3A = arith.addi %mul3A_0, %arg0 : i32
    %mul3A_1 = arith.constant 512 : i32
    %mul3A_2 = arith.muli %add3A, %mul3A_1 : i32
    "tpu.region"() ({
      %run_scoped3A = tpu.sem_alloc : memref<!tpu.dma_semaphore, #tpu.memory_space<semaphore_mem>>
      %dma_start3A_7 = tpu.memref_slice %arg3[%mul3A_2] : memref<16384xi32, #tpu.memory_space<hbm>> -> memref<512xi32, #tpu.memory_space<hbm>>
      %dma_start3A_8 = tpu.memref_slice %arg3[%mul3A_2] : memref<16384xi32, #tpu.memory_space<hbm>> -> memref<512xi32, #tpu.memory_space<hbm>>
      tpu.enqueue_dma source(%dma_start3A_8 : memref<512xi32, #tpu.memory_space<hbm>>) target(%arg5 : memref<512xi32, #tpu.memory_space<vmem>>) target_semaphore(%run_scoped3A : memref<!tpu.dma_semaphore, #tpu.memory_space<semaphore_mem>>)
      %dma_wait3A_9 = tpu.memref_slice %arg3[%mul3A_2] : memref<16384xi32, #tpu.memory_space<hbm>> -> memref<512xi32, #tpu.memory_space<hbm>>
      %dma_wait3A_10 = tpu.memref_slice %arg3[%mul3A_2] : memref<16384xi32, #tpu.memory_space<hbm>> -> memref<512xi32, #tpu.memory_space<hbm>>
      tpu.wait_dma2 semaphore(%run_scoped3A : memref<!tpu.dma_semaphore, #tpu.memory_space<semaphore_mem>>) src(%dma_wait3A_10 : memref<512xi32, #tpu.memory_space<hbm>>) dst(%arg5 : memref<512xi32, #tpu.memory_space<vmem>>)
      tpu.yield
    }) : () -> ()
    %dma_start3A = arith.constant 0 : i32
    %dma_start3A_3 = arith.constant 0 : i32
    %dma_start3A_4 = tpu.memref_slice %arg2[%dma_start3A, %dma_start3A_3] : memref<4096x32xf32, #tpu.memory_space<hbm>> -> memref<4096x32xf32, #tpu.memory_space<hbm>>
    tpu.enqueue_indirect_dma source(%dma_start3A_4 : memref<4096x32xf32, #tpu.memory_space<hbm>>) target(%arg6 : memref<512x32xf32, #tpu.memory_space<vmem>>) offsets(%arg5 : memref<512xi32, #tpu.memory_space<vmem>>) semaphore(%arg7 : memref<!tpu.dma_semaphore, #tpu.memory_space<semaphore_mem>>)
    %dma_wait3A = arith.constant 0 : i32
    %dma_wait3A_5 = arith.constant 0 : i32
    %dma_wait3A_6 = tpu.memref_slice %arg2[%dma_wait3A, %dma_wait3A_5] : memref<4096x32xf32, #tpu.memory_space<hbm>> -> memref<4096x32xf32, #tpu.memory_space<hbm>>
    tpu.wait_indirect_dma semaphore(%arg7 : memref<!tpu.dma_semaphore, #tpu.memory_space<semaphore_mem>>) src(%dma_wait3A_6 : memref<4096x32xf32, #tpu.memory_space<hbm>>) dst(%arg6 : memref<512x32xf32, #tpu.memory_space<vmem>>)
    "tpu.region"() ({
      %run_scoped3A = tpu.sem_alloc : memref<!tpu.dma_semaphore, #tpu.memory_space<semaphore_mem>>
      %dma_start3A_7 = arith.constant 0 : i32
      %dma_start3A_8 = tpu.memref_slice %arg4[%mul3A_2, %dma_start3A_7] : memref<16384x32xf32, #tpu.memory_space<hbm>> -> memref<512x32xf32, #tpu.memory_space<hbm>>
      %dma_start3A_9 = arith.constant 0 : i32
      %dma_start3A_10 = tpu.memref_slice %arg4[%mul3A_2, %dma_start3A_9] : memref<16384x32xf32, #tpu.memory_space<hbm>> -> memref<512x32xf32, #tpu.memory_space<hbm>>
      tpu.enqueue_dma source(%arg6 : memref<512x32xf32, #tpu.memory_space<vmem>>) target(%dma_start3A_10 : memref<512x32xf32, #tpu.memory_space<hbm>>) target_semaphore(%run_scoped3A : memref<!tpu.dma_semaphore, #tpu.memory_space<semaphore_mem>>)
      %dma_wait3A_11 = arith.constant 0 : i32
      %dma_wait3A_12 = tpu.memref_slice %arg4[%mul3A_2, %dma_wait3A_11] : memref<16384x32xf32, #tpu.memory_space<hbm>> -> memref<512x32xf32, #tpu.memory_space<hbm>>
      %dma_wait3A_13 = arith.constant 0 : i32
      %dma_wait3A_14 = tpu.memref_slice %arg4[%mul3A_2, %dma_wait3A_13] : memref<16384x32xf32, #tpu.memory_space<hbm>> -> memref<512x32xf32, #tpu.memory_space<hbm>>
      tpu.wait_dma2 semaphore(%run_scoped3A : memref<!tpu.dma_semaphore, #tpu.memory_space<semaphore_mem>>) src(%arg6 : memref<512x32xf32, #tpu.memory_space<vmem>>) dst(%dma_wait3A_14 : memref<512x32xf32, #tpu.memory_space<hbm>>)
      tpu.yield
    }) : () -> ()
    return
  }
}

module attributes {stable_mosaic.version = 14 : i64} {
  func.func @_top2_body(%arg0: i32, %arg1: memref<512x32xf32, #tpu.memory_space<vmem>>, %arg2: memref<32x4096xf32, #tpu.memory_space<vmem>>, %arg3: memref<512x8xi32, #tpu.memory_space<vmem>>, %arg4: memref<512x8xi32, #tpu.memory_space<vmem>>, %arg5: memref<512x8xi32, #tpu.memory_space<vmem>>, %arg6: memref<512x8xi32, #tpu.memory_space<vmem>>) attributes {dimension_semantics = [#tpu.dimension_semantics<arbitrary>], iteration_bounds = array<i64: 2>, scalar_prefetch = 0 : i64, scratch_operands = 0 : i64, tpu.core_type = #tpu.core_type<tc>, window_params = [{transform_indices = @transform_0, window_bounds = array<i64: 512, 32>}, {pipeline_mode = #tpu.pipeline_mode<synchronous>, transform_indices = @transform_1, window_bounds = array<i64: 32, 4096>}, {transform_indices = @transform_2, window_bounds = array<i64: 512, 8>}, {transform_indices = @transform_3, window_bounds = array<i64: 512, 8>}, {transform_indices = @transform_4, window_bounds = array<i64: 512, 8>}, {transform_indices = @transform_5, window_bounds = array<i64: 512, 8>}]} {
    %get3A = arith.constant 0 : index
    %get3A_0 = arith.constant 0 : index
    %get3A_1 = vector.load %arg1[%get3A, %get3A_0] : memref<512x32xf32, #tpu.memory_space<vmem>>, vector<512x32xf32>
    %get3A_2 = arith.constant 0 : index
    %get3A_3 = arith.constant 0 : index
    %get3A_4 = vector.load %arg2[%get3A_2, %get3A_3] : memref<32x4096xf32, #tpu.memory_space<vmem>>, vector<32x4096xf32>
    %mul3A = arith.mulf %get3A_4, %get3A_4 : vector<32x4096xf32>
    %reduce_sum3A = arith.constant dense<0.000000e+00> : vector<4096xf32>
    %reduce_sum3A_5 = vector.multi_reduction <add>, %mul3A, %reduce_sum3A [0] : vector<32x4096xf32> to vector<4096xf32>
    %broadcast_in_dim3A = vector.shape_cast %reduce_sum3A_5 : vector<4096xf32> to vector<1x4096xf32>
    %dot_general3A = arith.constant dense<0.000000e+00> : vector<512x4096xf32>
    %dot_general3A_6 = tpu.matmul %get3A_1, %get3A_4, %dot_general3A {dimension_numbers = #tpu.dot_dimension_numbers<[1], [0], [0], [1], [0, 0, 1, 1], [], []>, precision = #tpu.contract_precision<fp32>, transpose_lhs_hint = false} : vector<512x32xf32>, vector<32x4096xf32>, vector<512x4096xf32> -> vector<512x4096xf32>
    %mul3A_7 = arith.constant 2.000000e+00 : f32
    %mul3A_8 = vector.broadcast %mul3A_7 : f32 to vector<512x4096xf32>
    %mul3A_9 = arith.mulf %mul3A_8, %dot_general3A_6 : vector<512x4096xf32>
    %sub3A = vector.broadcast %broadcast_in_dim3A : vector<1x4096xf32> to vector<512x4096xf32>
    %sub3A_10 = arith.subf %sub3A, %mul3A_9 : vector<512x4096xf32>
    %iota3A = tpu.iota {dimensions = array<i32: 1>} : vector<512x512xi32>
    %slice3A = vector.extract_strided_slice %sub3A_10 {offsets = [0, 0], sizes = [512, 512], strides = [1, 1]} : vector<512x4096xf32> to vector<512x512xf32>
    %reduce_min3A = arith.constant dense<0x7F800000> : vector<512xf32>
    %reduce_min3A_11 = vector.multi_reduction <minimumf>, %slice3A, %reduce_min3A [1] : vector<512x512xf32> to vector<512xf32>
    %broadcast_in_dim3A_12 = vector.shape_cast %reduce_min3A_11 : vector<512xf32> to vector<512x1xf32>
    %eq3A = vector.broadcast %broadcast_in_dim3A_12 : vector<512x1xf32> to vector<512x512xf32>
    %eq3A_13 = arith.cmpf oeq, %slice3A, %eq3A : vector<512x512xf32>
    %jit3A = arith.constant 512 : i32
    %broadcast_in_dim3A_14 = vector.broadcast %jit3A : i32 to vector<512x512xi32>
    %select_n3A = arith.select %eq3A_13, %iota3A, %broadcast_in_dim3A_14 : vector<512x512xi1>, vector<512x512xi32>
    %reduce_min3A_15 = arith.constant dense<2147483647> : vector<512xi32>
    %reduce_min3A_16 = vector.multi_reduction <minsi>, %select_n3A, %reduce_min3A_15 [1] : vector<512x512xi32> to vector<512xi32>
    %broadcast_in_dim3A_17 = vector.shape_cast %reduce_min3A_16 : vector<512xi32> to vector<512x1xi32>
    %eq3A_18 = vector.broadcast %broadcast_in_dim3A_17 : vector<512x1xi32> to vector<512x512xi32>
    %eq3A_19 = arith.cmpi eq, %iota3A, %eq3A_18 : vector<512x512xi32>
    %jit3A_20 = arith.constant 0x7F800000 : f32
    %broadcast_in_dim3A_21 = vector.broadcast %jit3A_20 : f32 to vector<512x512xf32>
    %select_n3A_22 = arith.select %eq3A_19, %broadcast_in_dim3A_21, %slice3A : vector<512x512xi1>, vector<512x512xf32>
    %reduce_min3A_23 = arith.constant dense<0x7F800000> : vector<512xf32>
    %reduce_min3A_24 = vector.multi_reduction <minimumf>, %select_n3A_22, %reduce_min3A_23 [1] : vector<512x512xf32> to vector<512xf32>
    %broadcast_in_dim3A_25 = vector.shape_cast %reduce_min3A_24 : vector<512xf32> to vector<512x1xf32>
    %eq3A_26 = vector.broadcast %broadcast_in_dim3A_25 : vector<512x1xf32> to vector<512x512xf32>
    %eq3A_27 = arith.cmpf oeq, %select_n3A_22, %eq3A_26 : vector<512x512xf32>
    %jit3A_28 = arith.constant 512 : i32
    %broadcast_in_dim3A_29 = vector.broadcast %jit3A_28 : i32 to vector<512x512xi32>
    %select_n3A_30 = arith.select %eq3A_27, %iota3A, %broadcast_in_dim3A_29 : vector<512x512xi1>, vector<512x512xi32>
    %reduce_min3A_31 = arith.constant dense<2147483647> : vector<512xi32>
    %reduce_min3A_32 = vector.multi_reduction <minsi>, %select_n3A_30, %reduce_min3A_31 [1] : vector<512x512xi32> to vector<512xi32>
    %broadcast_in_dim3A_33 = vector.shape_cast %reduce_min3A_32 : vector<512xi32> to vector<512x1xi32>
    %add3A = arith.constant 0 : i32
    %add3A_34 = vector.broadcast %add3A : i32 to vector<512x1xi32>
    %add3A_35 = arith.addi %broadcast_in_dim3A_17, %add3A_34 : vector<512x1xi32>
    %add3A_36 = arith.constant 0 : i32
    %add3A_37 = vector.broadcast %add3A_36 : i32 to vector<512x1xi32>
    %add3A_38 = arith.addi %broadcast_in_dim3A_33, %add3A_37 : vector<512x1xi32>
    %slice3A_39 = vector.extract_strided_slice %sub3A_10 {offsets = [0, 512], sizes = [512, 512], strides = [1, 1]} : vector<512x4096xf32> to vector<512x512xf32>
    %reduce_min3A_40 = arith.constant dense<0x7F800000> : vector<512xf32>
    %reduce_min3A_41 = vector.multi_reduction <minimumf>, %slice3A_39, %reduce_min3A_40 [1] : vector<512x512xf32> to vector<512xf32>
    %broadcast_in_dim3A_42 = vector.shape_cast %reduce_min3A_41 : vector<512xf32> to vector<512x1xf32>
    %eq3A_43 = vector.broadcast %broadcast_in_dim3A_42 : vector<512x1xf32> to vector<512x512xf32>
    %eq3A_44 = arith.cmpf oeq, %slice3A_39, %eq3A_43 : vector<512x512xf32>
    %jit3A_45 = arith.constant 512 : i32
    %broadcast_in_dim3A_46 = vector.broadcast %jit3A_45 : i32 to vector<512x512xi32>
    %select_n3A_47 = arith.select %eq3A_44, %iota3A, %broadcast_in_dim3A_46 : vector<512x512xi1>, vector<512x512xi32>
    %reduce_min3A_48 = arith.constant dense<2147483647> : vector<512xi32>
    %reduce_min3A_49 = vector.multi_reduction <minsi>, %select_n3A_47, %reduce_min3A_48 [1] : vector<512x512xi32> to vector<512xi32>
    %broadcast_in_dim3A_50 = vector.shape_cast %reduce_min3A_49 : vector<512xi32> to vector<512x1xi32>
    %eq3A_51 = vector.broadcast %broadcast_in_dim3A_50 : vector<512x1xi32> to vector<512x512xi32>
    %eq3A_52 = arith.cmpi eq, %iota3A, %eq3A_51 : vector<512x512xi32>
    %jit3A_53 = arith.constant 0x7F800000 : f32
    %broadcast_in_dim3A_54 = vector.broadcast %jit3A_53 : f32 to vector<512x512xf32>
    %select_n3A_55 = arith.select %eq3A_52, %broadcast_in_dim3A_54, %slice3A_39 : vector<512x512xi1>, vector<512x512xf32>
    %reduce_min3A_56 = arith.constant dense<0x7F800000> : vector<512xf32>
    %reduce_min3A_57 = vector.multi_reduction <minimumf>, %select_n3A_55, %reduce_min3A_56 [1] : vector<512x512xf32> to vector<512xf32>
    %broadcast_in_dim3A_58 = vector.shape_cast %reduce_min3A_57 : vector<512xf32> to vector<512x1xf32>
    %eq3A_59 = vector.broadcast %broadcast_in_dim3A_58 : vector<512x1xf32> to vector<512x512xf32>
    %eq3A_60 = arith.cmpf oeq, %select_n3A_55, %eq3A_59 : vector<512x512xf32>
    %jit3A_61 = arith.constant 512 : i32
    %broadcast_in_dim3A_62 = vector.broadcast %jit3A_61 : i32 to vector<512x512xi32>
    %select_n3A_63 = arith.select %eq3A_60, %iota3A, %broadcast_in_dim3A_62 : vector<512x512xi1>, vector<512x512xi32>
    %reduce_min3A_64 = arith.constant dense<2147483647> : vector<512xi32>
    %reduce_min3A_65 = vector.multi_reduction <minsi>, %select_n3A_63, %reduce_min3A_64 [1] : vector<512x512xi32> to vector<512xi32>
    %broadcast_in_dim3A_66 = vector.shape_cast %reduce_min3A_65 : vector<512xi32> to vector<512x1xi32>
    %add3A_67 = arith.constant 512 : i32
    %add3A_68 = vector.broadcast %add3A_67 : i32 to vector<512x1xi32>
    %add3A_69 = arith.addi %broadcast_in_dim3A_50, %add3A_68 : vector<512x1xi32>
    %add3A_70 = arith.constant 512 : i32
    %add3A_71 = vector.broadcast %add3A_70 : i32 to vector<512x1xi32>
    %add3A_72 = arith.addi %broadcast_in_dim3A_66, %add3A_71 : vector<512x1xi32>
    %slice3A_73 = vector.extract_strided_slice %sub3A_10 {offsets = [0, 1024], sizes = [512, 512], strides = [1, 1]} : vector<512x4096xf32> to vector<512x512xf32>
    %reduce_min3A_74 = arith.constant dense<0x7F800000> : vector<512xf32>
    %reduce_min3A_75 = vector.multi_reduction <minimumf>, %slice3A_73, %reduce_min3A_74 [1] : vector<512x512xf32> to vector<512xf32>
    %broadcast_in_dim3A_76 = vector.shape_cast %reduce_min3A_75 : vector<512xf32> to vector<512x1xf32>
    %eq3A_77 = vector.broadcast %broadcast_in_dim3A_76 : vector<512x1xf32> to vector<512x512xf32>
    %eq3A_78 = arith.cmpf oeq, %slice3A_73, %eq3A_77 : vector<512x512xf32>
    %jit3A_79 = arith.constant 512 : i32
    %broadcast_in_dim3A_80 = vector.broadcast %jit3A_79 : i32 to vector<512x512xi32>
    %select_n3A_81 = arith.select %eq3A_78, %iota3A, %broadcast_in_dim3A_80 : vector<512x512xi1>, vector<512x512xi32>
    %reduce_min3A_82 = arith.constant dense<2147483647> : vector<512xi32>
    %reduce_min3A_83 = vector.multi_reduction <minsi>, %select_n3A_81, %reduce_min3A_82 [1] : vector<512x512xi32> to vector<512xi32>
    %broadcast_in_dim3A_84 = vector.shape_cast %reduce_min3A_83 : vector<512xi32> to vector<512x1xi32>
    %eq3A_85 = vector.broadcast %broadcast_in_dim3A_84 : vector<512x1xi32> to vector<512x512xi32>
    %eq3A_86 = arith.cmpi eq, %iota3A, %eq3A_85 : vector<512x512xi32>
    %jit3A_87 = arith.constant 0x7F800000 : f32
    %broadcast_in_dim3A_88 = vector.broadcast %jit3A_87 : f32 to vector<512x512xf32>
    %select_n3A_89 = arith.select %eq3A_86, %broadcast_in_dim3A_88, %slice3A_73 : vector<512x512xi1>, vector<512x512xf32>
    %reduce_min3A_90 = arith.constant dense<0x7F800000> : vector<512xf32>
    %reduce_min3A_91 = vector.multi_reduction <minimumf>, %select_n3A_89, %reduce_min3A_90 [1] : vector<512x512xf32> to vector<512xf32>
    %broadcast_in_dim3A_92 = vector.shape_cast %reduce_min3A_91 : vector<512xf32> to vector<512x1xf32>
    %eq3A_93 = vector.broadcast %broadcast_in_dim3A_92 : vector<512x1xf32> to vector<512x512xf32>
    %eq3A_94 = arith.cmpf oeq, %select_n3A_89, %eq3A_93 : vector<512x512xf32>
    %jit3A_95 = arith.constant 512 : i32
    %broadcast_in_dim3A_96 = vector.broadcast %jit3A_95 : i32 to vector<512x512xi32>
    %select_n3A_97 = arith.select %eq3A_94, %iota3A, %broadcast_in_dim3A_96 : vector<512x512xi1>, vector<512x512xi32>
    %reduce_min3A_98 = arith.constant dense<2147483647> : vector<512xi32>
    %reduce_min3A_99 = vector.multi_reduction <minsi>, %select_n3A_97, %reduce_min3A_98 [1] : vector<512x512xi32> to vector<512xi32>
    %broadcast_in_dim3A_100 = vector.shape_cast %reduce_min3A_99 : vector<512xi32> to vector<512x1xi32>
    %add3A_101 = arith.constant 1024 : i32
    %add3A_102 = vector.broadcast %add3A_101 : i32 to vector<512x1xi32>
    %add3A_103 = arith.addi %broadcast_in_dim3A_84, %add3A_102 : vector<512x1xi32>
    %add3A_104 = arith.constant 1024 : i32
    %add3A_105 = vector.broadcast %add3A_104 : i32 to vector<512x1xi32>
    %add3A_106 = arith.addi %broadcast_in_dim3A_100, %add3A_105 : vector<512x1xi32>
    %slice3A_107 = vector.extract_strided_slice %sub3A_10 {offsets = [0, 1536], sizes = [512, 512], strides = [1, 1]} : vector<512x4096xf32> to vector<512x512xf32>
    %reduce_min3A_108 = arith.constant dense<0x7F800000> : vector<512xf32>
    %reduce_min3A_109 = vector.multi_reduction <minimumf>, %slice3A_107, %reduce_min3A_108 [1] : vector<512x512xf32> to vector<512xf32>
    %broadcast_in_dim3A_110 = vector.shape_cast %reduce_min3A_109 : vector<512xf32> to vector<512x1xf32>
    %eq3A_111 = vector.broadcast %broadcast_in_dim3A_110 : vector<512x1xf32> to vector<512x512xf32>
    %eq3A_112 = arith.cmpf oeq, %slice3A_107, %eq3A_111 : vector<512x512xf32>
    %jit3A_113 = arith.constant 512 : i32
    %broadcast_in_dim3A_114 = vector.broadcast %jit3A_113 : i32 to vector<512x512xi32>
    %select_n3A_115 = arith.select %eq3A_112, %iota3A, %broadcast_in_dim3A_114 : vector<512x512xi1>, vector<512x512xi32>
    %reduce_min3A_116 = arith.constant dense<2147483647> : vector<512xi32>
    %reduce_min3A_117 = vector.multi_reduction <minsi>, %select_n3A_115, %reduce_min3A_116 [1] : vector<512x512xi32> to vector<512xi32>
    %broadcast_in_dim3A_118 = vector.shape_cast %reduce_min3A_117 : vector<512xi32> to vector<512x1xi32>
    %eq3A_119 = vector.broadcast %broadcast_in_dim3A_118 : vector<512x1xi32> to vector<512x512xi32>
    %eq3A_120 = arith.cmpi eq, %iota3A, %eq3A_119 : vector<512x512xi32>
    %jit3A_121 = arith.constant 0x7F800000 : f32
    %broadcast_in_dim3A_122 = vector.broadcast %jit3A_121 : f32 to vector<512x512xf32>
    %select_n3A_123 = arith.select %eq3A_120, %broadcast_in_dim3A_122, %slice3A_107 : vector<512x512xi1>, vector<512x512xf32>
    %reduce_min3A_124 = arith.constant dense<0x7F800000> : vector<512xf32>
    %reduce_min3A_125 = vector.multi_reduction <minimumf>, %select_n3A_123, %reduce_min3A_124 [1] : vector<512x512xf32> to vector<512xf32>
    %broadcast_in_dim3A_126 = vector.shape_cast %reduce_min3A_125 : vector<512xf32> to vector<512x1xf32>
    %eq3A_127 = vector.broadcast %broadcast_in_dim3A_126 : vector<512x1xf32> to vector<512x512xf32>
    %eq3A_128 = arith.cmpf oeq, %select_n3A_123, %eq3A_127 : vector<512x512xf32>
    %jit3A_129 = arith.constant 512 : i32
    %broadcast_in_dim3A_130 = vector.broadcast %jit3A_129 : i32 to vector<512x512xi32>
    %select_n3A_131 = arith.select %eq3A_128, %iota3A, %broadcast_in_dim3A_130 : vector<512x512xi1>, vector<512x512xi32>
    %reduce_min3A_132 = arith.constant dense<2147483647> : vector<512xi32>
    %reduce_min3A_133 = vector.multi_reduction <minsi>, %select_n3A_131, %reduce_min3A_132 [1] : vector<512x512xi32> to vector<512xi32>
    %broadcast_in_dim3A_134 = vector.shape_cast %reduce_min3A_133 : vector<512xi32> to vector<512x1xi32>
    %add3A_135 = arith.constant 1536 : i32
    %add3A_136 = vector.broadcast %add3A_135 : i32 to vector<512x1xi32>
    %add3A_137 = arith.addi %broadcast_in_dim3A_118, %add3A_136 : vector<512x1xi32>
    %add3A_138 = arith.constant 1536 : i32
    %add3A_139 = vector.broadcast %add3A_138 : i32 to vector<512x1xi32>
    %add3A_140 = arith.addi %broadcast_in_dim3A_134, %add3A_139 : vector<512x1xi32>
    %slice3A_141 = vector.extract_strided_slice %sub3A_10 {offsets = [0, 2048], sizes = [512, 512], strides = [1, 1]} : vector<512x4096xf32> to vector<512x512xf32>
    %reduce_min3A_142 = arith.constant dense<0x7F800000> : vector<512xf32>
    %reduce_min3A_143 = vector.multi_reduction <minimumf>, %slice3A_141, %reduce_min3A_142 [1] : vector<512x512xf32> to vector<512xf32>
    %broadcast_in_dim3A_144 = vector.shape_cast %reduce_min3A_143 : vector<512xf32> to vector<512x1xf32>
    %eq3A_145 = vector.broadcast %broadcast_in_dim3A_144 : vector<512x1xf32> to vector<512x512xf32>
    %eq3A_146 = arith.cmpf oeq, %slice3A_141, %eq3A_145 : vector<512x512xf32>
    %jit3A_147 = arith.constant 512 : i32
    %broadcast_in_dim3A_148 = vector.broadcast %jit3A_147 : i32 to vector<512x512xi32>
    %select_n3A_149 = arith.select %eq3A_146, %iota3A, %broadcast_in_dim3A_148 : vector<512x512xi1>, vector<512x512xi32>
    %reduce_min3A_150 = arith.constant dense<2147483647> : vector<512xi32>
    %reduce_min3A_151 = vector.multi_reduction <minsi>, %select_n3A_149, %reduce_min3A_150 [1] : vector<512x512xi32> to vector<512xi32>
    %broadcast_in_dim3A_152 = vector.shape_cast %reduce_min3A_151 : vector<512xi32> to vector<512x1xi32>
    %eq3A_153 = vector.broadcast %broadcast_in_dim3A_152 : vector<512x1xi32> to vector<512x512xi32>
    %eq3A_154 = arith.cmpi eq, %iota3A, %eq3A_153 : vector<512x512xi32>
    %jit3A_155 = arith.constant 0x7F800000 : f32
    %broadcast_in_dim3A_156 = vector.broadcast %jit3A_155 : f32 to vector<512x512xf32>
    %select_n3A_157 = arith.select %eq3A_154, %broadcast_in_dim3A_156, %slice3A_141 : vector<512x512xi1>, vector<512x512xf32>
    %reduce_min3A_158 = arith.constant dense<0x7F800000> : vector<512xf32>
    %reduce_min3A_159 = vector.multi_reduction <minimumf>, %select_n3A_157, %reduce_min3A_158 [1] : vector<512x512xf32> to vector<512xf32>
    %broadcast_in_dim3A_160 = vector.shape_cast %reduce_min3A_159 : vector<512xf32> to vector<512x1xf32>
    %eq3A_161 = vector.broadcast %broadcast_in_dim3A_160 : vector<512x1xf32> to vector<512x512xf32>
    %eq3A_162 = arith.cmpf oeq, %select_n3A_157, %eq3A_161 : vector<512x512xf32>
    %jit3A_163 = arith.constant 512 : i32
    %broadcast_in_dim3A_164 = vector.broadcast %jit3A_163 : i32 to vector<512x512xi32>
    %select_n3A_165 = arith.select %eq3A_162, %iota3A, %broadcast_in_dim3A_164 : vector<512x512xi1>, vector<512x512xi32>
    %reduce_min3A_166 = arith.constant dense<2147483647> : vector<512xi32>
    %reduce_min3A_167 = vector.multi_reduction <minsi>, %select_n3A_165, %reduce_min3A_166 [1] : vector<512x512xi32> to vector<512xi32>
    %broadcast_in_dim3A_168 = vector.shape_cast %reduce_min3A_167 : vector<512xi32> to vector<512x1xi32>
    %add3A_169 = arith.constant 2048 : i32
    %add3A_170 = vector.broadcast %add3A_169 : i32 to vector<512x1xi32>
    %add3A_171 = arith.addi %broadcast_in_dim3A_152, %add3A_170 : vector<512x1xi32>
    %add3A_172 = arith.constant 2048 : i32
    %add3A_173 = vector.broadcast %add3A_172 : i32 to vector<512x1xi32>
    %add3A_174 = arith.addi %broadcast_in_dim3A_168, %add3A_173 : vector<512x1xi32>
    %slice3A_175 = vector.extract_strided_slice %sub3A_10 {offsets = [0, 2560], sizes = [512, 512], strides = [1, 1]} : vector<512x4096xf32> to vector<512x512xf32>
    %reduce_min3A_176 = arith.constant dense<0x7F800000> : vector<512xf32>
    %reduce_min3A_177 = vector.multi_reduction <minimumf>, %slice3A_175, %reduce_min3A_176 [1] : vector<512x512xf32> to vector<512xf32>
    %broadcast_in_dim3A_178 = vector.shape_cast %reduce_min3A_177 : vector<512xf32> to vector<512x1xf32>
    %eq3A_179 = vector.broadcast %broadcast_in_dim3A_178 : vector<512x1xf32> to vector<512x512xf32>
    %eq3A_180 = arith.cmpf oeq, %slice3A_175, %eq3A_179 : vector<512x512xf32>
    %jit3A_181 = arith.constant 512 : i32
    %broadcast_in_dim3A_182 = vector.broadcast %jit3A_181 : i32 to vector<512x512xi32>
    %select_n3A_183 = arith.select %eq3A_180, %iota3A, %broadcast_in_dim3A_182 : vector<512x512xi1>, vector<512x512xi32>
    %reduce_min3A_184 = arith.constant dense<2147483647> : vector<512xi32>
    %reduce_min3A_185 = vector.multi_reduction <minsi>, %select_n3A_183, %reduce_min3A_184 [1] : vector<512x512xi32> to vector<512xi32>
    %broadcast_in_dim3A_186 = vector.shape_cast %reduce_min3A_185 : vector<512xi32> to vector<512x1xi32>
    %eq3A_187 = vector.broadcast %broadcast_in_dim3A_186 : vector<512x1xi32> to vector<512x512xi32>
    %eq3A_188 = arith.cmpi eq, %iota3A, %eq3A_187 : vector<512x512xi32>
    %jit3A_189 = arith.constant 0x7F800000 : f32
    %broadcast_in_dim3A_190 = vector.broadcast %jit3A_189 : f32 to vector<512x512xf32>
    %select_n3A_191 = arith.select %eq3A_188, %broadcast_in_dim3A_190, %slice3A_175 : vector<512x512xi1>, vector<512x512xf32>
    %reduce_min3A_192 = arith.constant dense<0x7F800000> : vector<512xf32>
    %reduce_min3A_193 = vector.multi_reduction <minimumf>, %select_n3A_191, %reduce_min3A_192 [1] : vector<512x512xf32> to vector<512xf32>
    %broadcast_in_dim3A_194 = vector.shape_cast %reduce_min3A_193 : vector<512xf32> to vector<512x1xf32>
    %eq3A_195 = vector.broadcast %broadcast_in_dim3A_194 : vector<512x1xf32> to vector<512x512xf32>
    %eq3A_196 = arith.cmpf oeq, %select_n3A_191, %eq3A_195 : vector<512x512xf32>
    %jit3A_197 = arith.constant 512 : i32
    %broadcast_in_dim3A_198 = vector.broadcast %jit3A_197 : i32 to vector<512x512xi32>
    %select_n3A_199 = arith.select %eq3A_196, %iota3A, %broadcast_in_dim3A_198 : vector<512x512xi1>, vector<512x512xi32>
    %reduce_min3A_200 = arith.constant dense<2147483647> : vector<512xi32>
    %reduce_min3A_201 = vector.multi_reduction <minsi>, %select_n3A_199, %reduce_min3A_200 [1] : vector<512x512xi32> to vector<512xi32>
    %broadcast_in_dim3A_202 = vector.shape_cast %reduce_min3A_201 : vector<512xi32> to vector<512x1xi32>
    %add3A_203 = arith.constant 2560 : i32
    %add3A_204 = vector.broadcast %add3A_203 : i32 to vector<512x1xi32>
    %add3A_205 = arith.addi %broadcast_in_dim3A_186, %add3A_204 : vector<512x1xi32>
    %add3A_206 = arith.constant 2560 : i32
    %add3A_207 = vector.broadcast %add3A_206 : i32 to vector<512x1xi32>
    %add3A_208 = arith.addi %broadcast_in_dim3A_202, %add3A_207 : vector<512x1xi32>
    %slice3A_209 = vector.extract_strided_slice %sub3A_10 {offsets = [0, 3072], sizes = [512, 512], strides = [1, 1]} : vector<512x4096xf32> to vector<512x512xf32>
    %reduce_min3A_210 = arith.constant dense<0x7F800000> : vector<512xf32>
    %reduce_min3A_211 = vector.multi_reduction <minimumf>, %slice3A_209, %reduce_min3A_210 [1] : vector<512x512xf32> to vector<512xf32>
    %broadcast_in_dim3A_212 = vector.shape_cast %reduce_min3A_211 : vector<512xf32> to vector<512x1xf32>
    %eq3A_213 = vector.broadcast %broadcast_in_dim3A_212 : vector<512x1xf32> to vector<512x512xf32>
    %eq3A_214 = arith.cmpf oeq, %slice3A_209, %eq3A_213 : vector<512x512xf32>
    %jit3A_215 = arith.constant 512 : i32
    %broadcast_in_dim3A_216 = vector.broadcast %jit3A_215 : i32 to vector<512x512xi32>
    %select_n3A_217 = arith.select %eq3A_214, %iota3A, %broadcast_in_dim3A_216 : vector<512x512xi1>, vector<512x512xi32>
    %reduce_min3A_218 = arith.constant dense<2147483647> : vector<512xi32>
    %reduce_min3A_219 = vector.multi_reduction <minsi>, %select_n3A_217, %reduce_min3A_218 [1] : vector<512x512xi32> to vector<512xi32>
    %broadcast_in_dim3A_220 = vector.shape_cast %reduce_min3A_219 : vector<512xi32> to vector<512x1xi32>
    %eq3A_221 = vector.broadcast %broadcast_in_dim3A_220 : vector<512x1xi32> to vector<512x512xi32>
    %eq3A_222 = arith.cmpi eq, %iota3A, %eq3A_221 : vector<512x512xi32>
    %jit3A_223 = arith.constant 0x7F800000 : f32
    %broadcast_in_dim3A_224 = vector.broadcast %jit3A_223 : f32 to vector<512x512xf32>
    %select_n3A_225 = arith.select %eq3A_222, %broadcast_in_dim3A_224, %slice3A_209 : vector<512x512xi1>, vector<512x512xf32>
    %reduce_min3A_226 = arith.constant dense<0x7F800000> : vector<512xf32>
    %reduce_min3A_227 = vector.multi_reduction <minimumf>, %select_n3A_225, %reduce_min3A_226 [1] : vector<512x512xf32> to vector<512xf32>
    %broadcast_in_dim3A_228 = vector.shape_cast %reduce_min3A_227 : vector<512xf32> to vector<512x1xf32>
    %eq3A_229 = vector.broadcast %broadcast_in_dim3A_228 : vector<512x1xf32> to vector<512x512xf32>
    %eq3A_230 = arith.cmpf oeq, %select_n3A_225, %eq3A_229 : vector<512x512xf32>
    %jit3A_231 = arith.constant 512 : i32
    %broadcast_in_dim3A_232 = vector.broadcast %jit3A_231 : i32 to vector<512x512xi32>
    %select_n3A_233 = arith.select %eq3A_230, %iota3A, %broadcast_in_dim3A_232 : vector<512x512xi1>, vector<512x512xi32>
    %reduce_min3A_234 = arith.constant dense<2147483647> : vector<512xi32>
    %reduce_min3A_235 = vector.multi_reduction <minsi>, %select_n3A_233, %reduce_min3A_234 [1] : vector<512x512xi32> to vector<512xi32>
    %broadcast_in_dim3A_236 = vector.shape_cast %reduce_min3A_235 : vector<512xi32> to vector<512x1xi32>
    %add3A_237 = arith.constant 3072 : i32
    %add3A_238 = vector.broadcast %add3A_237 : i32 to vector<512x1xi32>
    %add3A_239 = arith.addi %broadcast_in_dim3A_220, %add3A_238 : vector<512x1xi32>
    %add3A_240 = arith.constant 3072 : i32
    %add3A_241 = vector.broadcast %add3A_240 : i32 to vector<512x1xi32>
    %add3A_242 = arith.addi %broadcast_in_dim3A_236, %add3A_241 : vector<512x1xi32>
    %slice3A_243 = vector.extract_strided_slice %sub3A_10 {offsets = [0, 3584], sizes = [512, 512], strides = [1, 1]} : vector<512x4096xf32> to vector<512x512xf32>
    %reduce_min3A_244 = arith.constant dense<0x7F800000> : vector<512xf32>
    %reduce_min3A_245 = vector.multi_reduction <minimumf>, %slice3A_243, %reduce_min3A_244 [1] : vector<512x512xf32> to vector<512xf32>
    %broadcast_in_dim3A_246 = vector.shape_cast %reduce_min3A_245 : vector<512xf32> to vector<512x1xf32>
    %eq3A_247 = vector.broadcast %broadcast_in_dim3A_246 : vector<512x1xf32> to vector<512x512xf32>
    %eq3A_248 = arith.cmpf oeq, %slice3A_243, %eq3A_247 : vector<512x512xf32>
    %jit3A_249 = arith.constant 512 : i32
    %broadcast_in_dim3A_250 = vector.broadcast %jit3A_249 : i32 to vector<512x512xi32>
    %select_n3A_251 = arith.select %eq3A_248, %iota3A, %broadcast_in_dim3A_250 : vector<512x512xi1>, vector<512x512xi32>
    %reduce_min3A_252 = arith.constant dense<2147483647> : vector<512xi32>
    %reduce_min3A_253 = vector.multi_reduction <minsi>, %select_n3A_251, %reduce_min3A_252 [1] : vector<512x512xi32> to vector<512xi32>
    %broadcast_in_dim3A_254 = vector.shape_cast %reduce_min3A_253 : vector<512xi32> to vector<512x1xi32>
    %eq3A_255 = vector.broadcast %broadcast_in_dim3A_254 : vector<512x1xi32> to vector<512x512xi32>
    %eq3A_256 = arith.cmpi eq, %iota3A, %eq3A_255 : vector<512x512xi32>
    %jit3A_257 = arith.constant 0x7F800000 : f32
    %broadcast_in_dim3A_258 = vector.broadcast %jit3A_257 : f32 to vector<512x512xf32>
    %select_n3A_259 = arith.select %eq3A_256, %broadcast_in_dim3A_258, %slice3A_243 : vector<512x512xi1>, vector<512x512xf32>
    %reduce_min3A_260 = arith.constant dense<0x7F800000> : vector<512xf32>
    %reduce_min3A_261 = vector.multi_reduction <minimumf>, %select_n3A_259, %reduce_min3A_260 [1] : vector<512x512xf32> to vector<512xf32>
    %broadcast_in_dim3A_262 = vector.shape_cast %reduce_min3A_261 : vector<512xf32> to vector<512x1xf32>
    %eq3A_263 = vector.broadcast %broadcast_in_dim3A_262 : vector<512x1xf32> to vector<512x512xf32>
    %eq3A_264 = arith.cmpf oeq, %select_n3A_259, %eq3A_263 : vector<512x512xf32>
    %jit3A_265 = arith.constant 512 : i32
    %broadcast_in_dim3A_266 = vector.broadcast %jit3A_265 : i32 to vector<512x512xi32>
    %select_n3A_267 = arith.select %eq3A_264, %iota3A, %broadcast_in_dim3A_266 : vector<512x512xi1>, vector<512x512xi32>
    %reduce_min3A_268 = arith.constant dense<2147483647> : vector<512xi32>
    %reduce_min3A_269 = vector.multi_reduction <minsi>, %select_n3A_267, %reduce_min3A_268 [1] : vector<512x512xi32> to vector<512xi32>
    %broadcast_in_dim3A_270 = vector.shape_cast %reduce_min3A_269 : vector<512xi32> to vector<512x1xi32>
    %add3A_271 = arith.constant 3584 : i32
    %add3A_272 = vector.broadcast %add3A_271 : i32 to vector<512x1xi32>
    %add3A_273 = arith.addi %broadcast_in_dim3A_254, %add3A_272 : vector<512x1xi32>
    %add3A_274 = arith.constant 3584 : i32
    %add3A_275 = vector.broadcast %add3A_274 : i32 to vector<512x1xi32>
    %add3A_276 = arith.addi %broadcast_in_dim3A_270, %add3A_275 : vector<512x1xi32>
    %concatenate3A = tpu.concatenate %broadcast_in_dim3A_17, %broadcast_in_dim3A_50, %broadcast_in_dim3A_84, %broadcast_in_dim3A_118, %broadcast_in_dim3A_152, %broadcast_in_dim3A_186, %broadcast_in_dim3A_220, %broadcast_in_dim3A_254 in 1 : vector<512x1xi32>, vector<512x1xi32>, vector<512x1xi32>, vector<512x1xi32>, vector<512x1xi32>, vector<512x1xi32>, vector<512x1xi32>, vector<512x1xi32> -> vector<512x8xi32>
    %swap3A = arith.constant 0 : index
    %swap3A_277 = arith.constant 0 : index
    %swap3A_278 = vector.load %arg3[%swap3A, %swap3A_277] : memref<512x8xi32, #tpu.memory_space<vmem>>, vector<512x8xi32>
    tpu.vector_store %arg3[%swap3A, %swap3A_277], %concatenate3A {strides = array<i32>} : memref<512x8xi32, #tpu.memory_space<vmem>>, vector<512x8xi32>,
    %concatenate3A_279 = tpu.concatenate %broadcast_in_dim3A_33, %broadcast_in_dim3A_66, %broadcast_in_dim3A_100, %broadcast_in_dim3A_134, %broadcast_in_dim3A_168, %broadcast_in_dim3A_202, %broadcast_in_dim3A_236, %broadcast_in_dim3A_270 in 1 : vector<512x1xi32>, vector<512x1xi32>, vector<512x1xi32>, vector<512x1xi32>, vector<512x1xi32>, vector<512x1xi32>, vector<512x1xi32>, vector<512x1xi32> -> vector<512x8xi32>
    %swap3A_280 = arith.constant 0 : index
    %swap3A_281 = arith.constant 0 : index
    %swap3A_282 = vector.load %arg4[%swap3A_280, %swap3A_281] : memref<512x8xi32, #tpu.memory_space<vmem>>, vector<512x8xi32>
    tpu.vector_store %arg4[%swap3A_280, %swap3A_281], %concatenate3A_279 {strides = array<i32>} : memref<512x8xi32, #tpu.memory_space<vmem>>, vector<512x8xi32>,
    %concatenate3A_283 = tpu.concatenate %add3A_35, %add3A_69, %add3A_103, %add3A_137, %add3A_171, %add3A_205, %add3A_239, %add3A_273 in 1 : vector<512x1xi32>, vector<512x1xi32>, vector<512x1xi32>, vector<512x1xi32>, vector<512x1xi32>, vector<512x1xi32>, vector<512x1xi32>, vector<512x1xi32> -> vector<512x8xi32>
    %swap3A_284 = arith.constant 0 : index
    %swap3A_285 = arith.constant 0 : index
    %swap3A_286 = vector.load %arg5[%swap3A_284, %swap3A_285] : memref<512x8xi32, #tpu.memory_space<vmem>>, vector<512x8xi32>
    tpu.vector_store %arg5[%swap3A_284, %swap3A_285], %concatenate3A_283 {strides = array<i32>} : memref<512x8xi32, #tpu.memory_space<vmem>>, vector<512x8xi32>,
    %concatenate3A_287 = tpu.concatenate %add3A_38, %add3A_72, %add3A_106, %add3A_140, %add3A_174, %add3A_208, %add3A_242, %add3A_276 in 1 : vector<512x1xi32>, vector<512x1xi32>, vector<512x1xi32>, vector<512x1xi32>, vector<512x1xi32>, vector<512x1xi32>, vector<512x1xi32>, vector<512x1xi32> -> vector<512x8xi32>
    %swap3A_288 = arith.constant 0 : index
    %swap3A_289 = arith.constant 0 : index
    %swap3A_290 = vector.load %arg6[%swap3A_288, %swap3A_289] : memref<512x8xi32, #tpu.memory_space<vmem>>, vector<512x8xi32>
    tpu.vector_store %arg6[%swap3A_288, %swap3A_289], %concatenate3A_287 {strides = array<i32>} : memref<512x8xi32, #tpu.memory_space<vmem>>, vector<512x8xi32>,
    return
  }
  func.func @transform_0(%arg0: i32) -> (i32, i32) {
    %c0_i32 = arith.constant 0 : i32
    %c0_i32_0 = arith.constant 0 : i32
    return %arg0, %c0_i32 : i32, i32
  }
  func.func @transform_1(%arg0: i32) -> (i32, i32) {
    %c0_i32 = arith.constant 0 : i32
    %c0_i32_0 = arith.constant 0 : i32
    %c0_i32_1 = arith.constant 0 : i32
    return %c0_i32, %c0_i32_0 : i32, i32
  }
  func.func @transform_2(%arg0: i32) -> (i32, i32) {
    %c0_i32 = arith.constant 0 : i32
    %c0_i32_0 = arith.constant 0 : i32
    return %arg0, %c0_i32 : i32, i32
  }
  func.func @transform_3(%arg0: i32) -> (i32, i32) {
    %c0_i32 = arith.constant 0 : i32
    %c0_i32_0 = arith.constant 0 : i32
    return %arg0, %c0_i32 : i32, i32
  }
  func.func @transform_4(%arg0: i32) -> (i32, i32) {
    %c0_i32 = arith.constant 0 : i32
    %c0_i32_0 = arith.constant 0 : i32
    return %arg0, %c0_i32 : i32, i32
  }
  func.func @transform_5(%arg0: i32) -> (i32, i32) {
    %c0_i32 = arith.constant 0 : i32
    %c0_i32_0 = arith.constant 0 : i32
    return %arg0, %c0_i32 : i32, i32
  }
}

module attributes {stable_mosaic.version = 14 : i64} {
  func.func @_rescue_body(%arg0: memref<1024x32xf32, #tpu.memory_space<vmem>>, %arg1: memref<8x1024x32xf32, #tpu.memory_space<vmem>>, %arg2: memref<8x1024x32xf32, #tpu.memory_space<vmem>>, %arg3: memref<1024x8xi32, #tpu.memory_space<vmem>>, %arg4: memref<1024x8xi32, #tpu.memory_space<vmem>>, %arg5: memref<1024x8xi32, #tpu.memory_space<vmem>>, %arg6: memref<1024x32xf32, #tpu.memory_space<vmem>>, %arg7: memref<1x1xf32, #tpu.memory_space<smem>>) attributes {dimension_semantics = [], scalar_prefetch = 0 : i64, scratch_operands = 0 : i64, tpu.core_type = #tpu.core_type<tc>} {
    %get3A = arith.constant 0 : index
    %get3A_0 = arith.constant 0 : index
    %get3A_1 = vector.load %arg0[%get3A, %get3A_0] : memref<1024x32xf32, #tpu.memory_space<vmem>>, vector<1024x32xf32>
    %get3A_2 = arith.constant 0 : index
    %get3A_3 = arith.constant 0 : index
    %get3A_4 = arith.constant 0 : index
    %get3A_5 = vector.load %arg1[%get3A_2, %get3A_3, %get3A_4] : memref<8x1024x32xf32, #tpu.memory_space<vmem>>, vector<1x1024x32xf32>
    %get3A_6 = vector.shape_cast %get3A_5 : vector<1x1024x32xf32> to vector<1024x32xf32>
    %get3A_7 = arith.constant 0 : index
    %get3A_8 = arith.constant 0 : index
    %get3A_9 = arith.constant 0 : index
    %get3A_10 = vector.load %arg2[%get3A_7, %get3A_8, %get3A_9] : memref<8x1024x32xf32, #tpu.memory_space<vmem>>, vector<1x1024x32xf32>
    %get3A_11 = vector.shape_cast %get3A_10 : vector<1x1024x32xf32> to vector<1024x32xf32>
    %sub3A = arith.subf %get3A_1, %get3A_6 : vector<1024x32xf32>
    %sub3A_12 = arith.subf %get3A_1, %get3A_11 : vector<1024x32xf32>
    %mul3A = arith.mulf %sub3A, %sub3A : vector<1024x32xf32>
    %reduce_sum3A = arith.constant dense<0.000000e+00> : vector<1024xf32>
    %reduce_sum3A_13 = vector.multi_reduction <add>, %mul3A, %reduce_sum3A [1] : vector<1024x32xf32> to vector<1024xf32>
    %broadcast_in_dim3A = vector.shape_cast %reduce_sum3A_13 : vector<1024xf32> to vector<1024x1xf32>
    %mul3A_14 = arith.mulf %sub3A_12, %sub3A_12 : vector<1024x32xf32>
    %reduce_sum3A_15 = arith.constant dense<0.000000e+00> : vector<1024xf32>
    %reduce_sum3A_16 = vector.multi_reduction <add>, %mul3A_14, %reduce_sum3A_15 [1] : vector<1024x32xf32> to vector<1024xf32>
    %broadcast_in_dim3A_17 = vector.shape_cast %reduce_sum3A_16 : vector<1024xf32> to vector<1024x1xf32>
    %get3A_18 = arith.constant 0 : index
    %get3A_19 = arith.constant 0 : index
    %get3A_20 = vector.load %arg3[%get3A_18, %get3A_19] : memref<1024x8xi32, #tpu.memory_space<vmem>>, vector<1024x1xi32>
    %get3A_21 = arith.constant 0 : index
    %get3A_22 = arith.constant 0 : index
    %get3A_23 = vector.load %arg4[%get3A_21, %get3A_22] : memref<1024x8xi32, #tpu.memory_space<vmem>>, vector<1024x1xi32>
    %lt3A = arith.cmpf olt, %broadcast_in_dim3A, %broadcast_in_dim3A_17 : vector<1024x1xf32>
    %eq3A = arith.cmpf oeq, %broadcast_in_dim3A, %broadcast_in_dim3A_17 : vector<1024x1xf32>
    %lt3A_24 = arith.cmpi slt, %get3A_20, %get3A_23 : vector<1024x1xi32>
    %and3A = arith.andi %eq3A, %lt3A_24 : vector<1024x1xi1>
    %or3A = arith.ori %lt3A, %and3A : vector<1024x1xi1>
    %select_n3A = arith.select %or3A, %get3A_20, %get3A_23 : vector<1024x1xi1>, vector<1024x1xi32>
    %broadcast_in_dim3A_25 = vector.shape_cast %or3A : vector<1024x1xi1> to vector<1024x1xi1>
    %broadcast_in_dim3A_26 = vector.broadcast %broadcast_in_dim3A_25 : vector<1024x1xi1> to vector<1024x32xi1>
    %select_n3A_27 = arith.select %broadcast_in_dim3A_26, %get3A_6, %get3A_11 : vector<1024x32xi1>, vector<1024x32xf32>
    %get3A_28 = arith.constant 1 : index
    %get3A_29 = arith.constant 0 : index
    %get3A_30 = arith.constant 0 : index
    %get3A_31 = vector.load %arg1[%get3A_28, %get3A_29, %get3A_30] : memref<8x1024x32xf32, #tpu.memory_space<vmem>>, vector<1x1024x32xf32>
    %get3A_32 = vector.shape_cast %get3A_31 : vector<1x1024x32xf32> to vector<1024x32xf32>
    %get3A_33 = arith.constant 1 : index
    %get3A_34 = arith.constant 0 : index
    %get3A_35 = arith.constant 0 : index
    %get3A_36 = vector.load %arg2[%get3A_33, %get3A_34, %get3A_35] : memref<8x1024x32xf32, #tpu.memory_space<vmem>>, vector<1x1024x32xf32>
    %get3A_37 = vector.shape_cast %get3A_36 : vector<1x1024x32xf32> to vector<1024x32xf32>
    %sub3A_38 = arith.subf %get3A_1, %get3A_32 : vector<1024x32xf32>
    %sub3A_39 = arith.subf %get3A_1, %get3A_37 : vector<1024x32xf32>
    %mul3A_40 = arith.mulf %sub3A_38, %sub3A_38 : vector<1024x32xf32>
    %reduce_sum3A_41 = arith.constant dense<0.000000e+00> : vector<1024xf32>
    %reduce_sum3A_42 = vector.multi_reduction <add>, %mul3A_40, %reduce_sum3A_41 [1] : vector<1024x32xf32> to vector<1024xf32>
    %broadcast_in_dim3A_43 = vector.shape_cast %reduce_sum3A_42 : vector<1024xf32> to vector<1024x1xf32>
    %mul3A_44 = arith.mulf %sub3A_39, %sub3A_39 : vector<1024x32xf32>
    %reduce_sum3A_45 = arith.constant dense<0.000000e+00> : vector<1024xf32>
    %reduce_sum3A_46 = vector.multi_reduction <add>, %mul3A_44, %reduce_sum3A_45 [1] : vector<1024x32xf32> to vector<1024xf32>
    %broadcast_in_dim3A_47 = vector.shape_cast %reduce_sum3A_46 : vector<1024xf32> to vector<1024x1xf32>
    %get3A_48 = arith.constant 0 : index
    %get3A_49 = arith.constant 1 : index
    %get3A_50 = vector.load %arg3[%get3A_48, %get3A_49] : memref<1024x8xi32, #tpu.memory_space<vmem>>, vector<1024x1xi32>
    %get3A_51 = arith.constant 0 : index
    %get3A_52 = arith.constant 1 : index
    %get3A_53 = vector.load %arg4[%get3A_51, %get3A_52] : memref<1024x8xi32, #tpu.memory_space<vmem>>, vector<1024x1xi32>
    %lt3A_54 = arith.cmpf olt, %broadcast_in_dim3A_43, %broadcast_in_dim3A_47 : vector<1024x1xf32>
    %eq3A_55 = arith.cmpf oeq, %broadcast_in_dim3A_43, %broadcast_in_dim3A_47 : vector<1024x1xf32>
    %lt3A_56 = arith.cmpi slt, %get3A_50, %get3A_53 : vector<1024x1xi32>
    %and3A_57 = arith.andi %eq3A_55, %lt3A_56 : vector<1024x1xi1>
    %or3A_58 = arith.ori %lt3A_54, %and3A_57 : vector<1024x1xi1>
    %select_n3A_59 = arith.select %or3A_58, %get3A_50, %get3A_53 : vector<1024x1xi1>, vector<1024x1xi32>
    %broadcast_in_dim3A_60 = vector.shape_cast %or3A_58 : vector<1024x1xi1> to vector<1024x1xi1>
    %broadcast_in_dim3A_61 = vector.broadcast %broadcast_in_dim3A_60 : vector<1024x1xi1> to vector<1024x32xi1>
    %select_n3A_62 = arith.select %broadcast_in_dim3A_61, %get3A_32, %get3A_37 : vector<1024x32xi1>, vector<1024x32xf32>
    %add3A = arith.addf %select_n3A_27, %select_n3A_62 : vector<1024x32xf32>
    %get3A_63 = arith.constant 2 : index
    %get3A_64 = arith.constant 0 : index
    %get3A_65 = arith.constant 0 : index
    %get3A_66 = vector.load %arg1[%get3A_63, %get3A_64, %get3A_65] : memref<8x1024x32xf32, #tpu.memory_space<vmem>>, vector<1x1024x32xf32>
    %get3A_67 = vector.shape_cast %get3A_66 : vector<1x1024x32xf32> to vector<1024x32xf32>
    %get3A_68 = arith.constant 2 : index
    %get3A_69 = arith.constant 0 : index
    %get3A_70 = arith.constant 0 : index
    %get3A_71 = vector.load %arg2[%get3A_68, %get3A_69, %get3A_70] : memref<8x1024x32xf32, #tpu.memory_space<vmem>>, vector<1x1024x32xf32>
    %get3A_72 = vector.shape_cast %get3A_71 : vector<1x1024x32xf32> to vector<1024x32xf32>
    %sub3A_73 = arith.subf %get3A_1, %get3A_67 : vector<1024x32xf32>
    %sub3A_74 = arith.subf %get3A_1, %get3A_72 : vector<1024x32xf32>
    %mul3A_75 = arith.mulf %sub3A_73, %sub3A_73 : vector<1024x32xf32>
    %reduce_sum3A_76 = arith.constant dense<0.000000e+00> : vector<1024xf32>
    %reduce_sum3A_77 = vector.multi_reduction <add>, %mul3A_75, %reduce_sum3A_76 [1] : vector<1024x32xf32> to vector<1024xf32>
    %broadcast_in_dim3A_78 = vector.shape_cast %reduce_sum3A_77 : vector<1024xf32> to vector<1024x1xf32>
    %mul3A_79 = arith.mulf %sub3A_74, %sub3A_74 : vector<1024x32xf32>
    %reduce_sum3A_80 = arith.constant dense<0.000000e+00> : vector<1024xf32>
    %reduce_sum3A_81 = vector.multi_reduction <add>, %mul3A_79, %reduce_sum3A_80 [1] : vector<1024x32xf32> to vector<1024xf32>
    %broadcast_in_dim3A_82 = vector.shape_cast %reduce_sum3A_81 : vector<1024xf32> to vector<1024x1xf32>
    %get3A_83 = arith.constant 0 : index
    %get3A_84 = arith.constant 2 : index
    %get3A_85 = vector.load %arg3[%get3A_83, %get3A_84] : memref<1024x8xi32, #tpu.memory_space<vmem>>, vector<1024x1xi32>
    %get3A_86 = arith.constant 0 : index
    %get3A_87 = arith.constant 2 : index
    %get3A_88 = vector.load %arg4[%get3A_86, %get3A_87] : memref<1024x8xi32, #tpu.memory_space<vmem>>, vector<1024x1xi32>
    %lt3A_89 = arith.cmpf olt, %broadcast_in_dim3A_78, %broadcast_in_dim3A_82 : vector<1024x1xf32>
    %eq3A_90 = arith.cmpf oeq, %broadcast_in_dim3A_78, %broadcast_in_dim3A_82 : vector<1024x1xf32>
    %lt3A_91 = arith.cmpi slt, %get3A_85, %get3A_88 : vector<1024x1xi32>
    %and3A_92 = arith.andi %eq3A_90, %lt3A_91 : vector<1024x1xi1>
    %or3A_93 = arith.ori %lt3A_89, %and3A_92 : vector<1024x1xi1>
    %select_n3A_94 = arith.select %or3A_93, %get3A_85, %get3A_88 : vector<1024x1xi1>, vector<1024x1xi32>
    %broadcast_in_dim3A_95 = vector.shape_cast %or3A_93 : vector<1024x1xi1> to vector<1024x1xi1>
    %broadcast_in_dim3A_96 = vector.broadcast %broadcast_in_dim3A_95 : vector<1024x1xi1> to vector<1024x32xi1>
    %select_n3A_97 = arith.select %broadcast_in_dim3A_96, %get3A_67, %get3A_72 : vector<1024x32xi1>, vector<1024x32xf32>
    %add3A_98 = arith.addf %add3A, %select_n3A_97 : vector<1024x32xf32>
    %get3A_99 = arith.constant 3 : index
    %get3A_100 = arith.constant 0 : index
    %get3A_101 = arith.constant 0 : index
    %get3A_102 = vector.load %arg1[%get3A_99, %get3A_100, %get3A_101] : memref<8x1024x32xf32, #tpu.memory_space<vmem>>, vector<1x1024x32xf32>
    %get3A_103 = vector.shape_cast %get3A_102 : vector<1x1024x32xf32> to vector<1024x32xf32>
    %get3A_104 = arith.constant 3 : index
    %get3A_105 = arith.constant 0 : index
    %get3A_106 = arith.constant 0 : index
    %get3A_107 = vector.load %arg2[%get3A_104, %get3A_105, %get3A_106] : memref<8x1024x32xf32, #tpu.memory_space<vmem>>, vector<1x1024x32xf32>
    %get3A_108 = vector.shape_cast %get3A_107 : vector<1x1024x32xf32> to vector<1024x32xf32>
    %sub3A_109 = arith.subf %get3A_1, %get3A_103 : vector<1024x32xf32>
    %sub3A_110 = arith.subf %get3A_1, %get3A_108 : vector<1024x32xf32>
    %mul3A_111 = arith.mulf %sub3A_109, %sub3A_109 : vector<1024x32xf32>
    %reduce_sum3A_112 = arith.constant dense<0.000000e+00> : vector<1024xf32>
    %reduce_sum3A_113 = vector.multi_reduction <add>, %mul3A_111, %reduce_sum3A_112 [1] : vector<1024x32xf32> to vector<1024xf32>
    %broadcast_in_dim3A_114 = vector.shape_cast %reduce_sum3A_113 : vector<1024xf32> to vector<1024x1xf32>
    %mul3A_115 = arith.mulf %sub3A_110, %sub3A_110 : vector<1024x32xf32>
    %reduce_sum3A_116 = arith.constant dense<0.000000e+00> : vector<1024xf32>
    %reduce_sum3A_117 = vector.multi_reduction <add>, %mul3A_115, %reduce_sum3A_116 [1] : vector<1024x32xf32> to vector<1024xf32>
    %broadcast_in_dim3A_118 = vector.shape_cast %reduce_sum3A_117 : vector<1024xf32> to vector<1024x1xf32>
    %get3A_119 = arith.constant 0 : index
    %get3A_120 = arith.constant 3 : index
    %get3A_121 = vector.load %arg3[%get3A_119, %get3A_120] : memref<1024x8xi32, #tpu.memory_space<vmem>>, vector<1024x1xi32>
    %get3A_122 = arith.constant 0 : index
    %get3A_123 = arith.constant 3 : index
    %get3A_124 = vector.load %arg4[%get3A_122, %get3A_123] : memref<1024x8xi32, #tpu.memory_space<vmem>>, vector<1024x1xi32>
    %lt3A_125 = arith.cmpf olt, %broadcast_in_dim3A_114, %broadcast_in_dim3A_118 : vector<1024x1xf32>
    %eq3A_126 = arith.cmpf oeq, %broadcast_in_dim3A_114, %broadcast_in_dim3A_118 : vector<1024x1xf32>
    %lt3A_127 = arith.cmpi slt, %get3A_121, %get3A_124 : vector<1024x1xi32>
    %and3A_128 = arith.andi %eq3A_126, %lt3A_127 : vector<1024x1xi1>
    %or3A_129 = arith.ori %lt3A_125, %and3A_128 : vector<1024x1xi1>
    %select_n3A_130 = arith.select %or3A_129, %get3A_121, %get3A_124 : vector<1024x1xi1>, vector<1024x1xi32>
    %broadcast_in_dim3A_131 = vector.shape_cast %or3A_129 : vector<1024x1xi1> to vector<1024x1xi1>
    %broadcast_in_dim3A_132 = vector.broadcast %broadcast_in_dim3A_131 : vector<1024x1xi1> to vector<1024x32xi1>
    %select_n3A_133 = arith.select %broadcast_in_dim3A_132, %get3A_103, %get3A_108 : vector<1024x32xi1>, vector<1024x32xf32>
    %add3A_134 = arith.addf %add3A_98, %select_n3A_133 : vector<1024x32xf32>
    %get3A_135 = arith.constant 4 : index
    %get3A_136 = arith.constant 0 : index
    %get3A_137 = arith.constant 0 : index
    %get3A_138 = vector.load %arg1[%get3A_135, %get3A_136, %get3A_137] : memref<8x1024x32xf32, #tpu.memory_space<vmem>>, vector<1x1024x32xf32>
    %get3A_139 = vector.shape_cast %get3A_138 : vector<1x1024x32xf32> to vector<1024x32xf32>
    %get3A_140 = arith.constant 4 : index
    %get3A_141 = arith.constant 0 : index
    %get3A_142 = arith.constant 0 : index
    %get3A_143 = vector.load %arg2[%get3A_140, %get3A_141, %get3A_142] : memref<8x1024x32xf32, #tpu.memory_space<vmem>>, vector<1x1024x32xf32>
    %get3A_144 = vector.shape_cast %get3A_143 : vector<1x1024x32xf32> to vector<1024x32xf32>
    %sub3A_145 = arith.subf %get3A_1, %get3A_139 : vector<1024x32xf32>
    %sub3A_146 = arith.subf %get3A_1, %get3A_144 : vector<1024x32xf32>
    %mul3A_147 = arith.mulf %sub3A_145, %sub3A_145 : vector<1024x32xf32>
    %reduce_sum3A_148 = arith.constant dense<0.000000e+00> : vector<1024xf32>
    %reduce_sum3A_149 = vector.multi_reduction <add>, %mul3A_147, %reduce_sum3A_148 [1] : vector<1024x32xf32> to vector<1024xf32>
    %broadcast_in_dim3A_150 = vector.shape_cast %reduce_sum3A_149 : vector<1024xf32> to vector<1024x1xf32>
    %mul3A_151 = arith.mulf %sub3A_146, %sub3A_146 : vector<1024x32xf32>
    %reduce_sum3A_152 = arith.constant dense<0.000000e+00> : vector<1024xf32>
    %reduce_sum3A_153 = vector.multi_reduction <add>, %mul3A_151, %reduce_sum3A_152 [1] : vector<1024x32xf32> to vector<1024xf32>
    %broadcast_in_dim3A_154 = vector.shape_cast %reduce_sum3A_153 : vector<1024xf32> to vector<1024x1xf32>
    %get3A_155 = arith.constant 0 : index
    %get3A_156 = arith.constant 4 : index
    %get3A_157 = vector.load %arg3[%get3A_155, %get3A_156] : memref<1024x8xi32, #tpu.memory_space<vmem>>, vector<1024x1xi32>
    %get3A_158 = arith.constant 0 : index
    %get3A_159 = arith.constant 4 : index
    %get3A_160 = vector.load %arg4[%get3A_158, %get3A_159] : memref<1024x8xi32, #tpu.memory_space<vmem>>, vector<1024x1xi32>
    %lt3A_161 = arith.cmpf olt, %broadcast_in_dim3A_150, %broadcast_in_dim3A_154 : vector<1024x1xf32>
    %eq3A_162 = arith.cmpf oeq, %broadcast_in_dim3A_150, %broadcast_in_dim3A_154 : vector<1024x1xf32>
    %lt3A_163 = arith.cmpi slt, %get3A_157, %get3A_160 : vector<1024x1xi32>
    %and3A_164 = arith.andi %eq3A_162, %lt3A_163 : vector<1024x1xi1>
    %or3A_165 = arith.ori %lt3A_161, %and3A_164 : vector<1024x1xi1>
    %select_n3A_166 = arith.select %or3A_165, %get3A_157, %get3A_160 : vector<1024x1xi1>, vector<1024x1xi32>
    %broadcast_in_dim3A_167 = vector.shape_cast %or3A_165 : vector<1024x1xi1> to vector<1024x1xi1>
    %broadcast_in_dim3A_168 = vector.broadcast %broadcast_in_dim3A_167 : vector<1024x1xi1> to vector<1024x32xi1>
    %select_n3A_169 = arith.select %broadcast_in_dim3A_168, %get3A_139, %get3A_144 : vector<1024x32xi1>, vector<1024x32xf32>
    %add3A_170 = arith.addf %add3A_134, %select_n3A_169 : vector<1024x32xf32>
    %get3A_171 = arith.constant 5 : index
    %get3A_172 = arith.constant 0 : index
    %get3A_173 = arith.constant 0 : index
    %get3A_174 = vector.load %arg1[%get3A_171, %get3A_172, %get3A_173] : memref<8x1024x32xf32, #tpu.memory_space<vmem>>, vector<1x1024x32xf32>
    %get3A_175 = vector.shape_cast %get3A_174 : vector<1x1024x32xf32> to vector<1024x32xf32>
    %get3A_176 = arith.constant 5 : index
    %get3A_177 = arith.constant 0 : index
    %get3A_178 = arith.constant 0 : index
    %get3A_179 = vector.load %arg2[%get3A_176, %get3A_177, %get3A_178] : memref<8x1024x32xf32, #tpu.memory_space<vmem>>, vector<1x1024x32xf32>
    %get3A_180 = vector.shape_cast %get3A_179 : vector<1x1024x32xf32> to vector<1024x32xf32>
    %sub3A_181 = arith.subf %get3A_1, %get3A_175 : vector<1024x32xf32>
    %sub3A_182 = arith.subf %get3A_1, %get3A_180 : vector<1024x32xf32>
    %mul3A_183 = arith.mulf %sub3A_181, %sub3A_181 : vector<1024x32xf32>
    %reduce_sum3A_184 = arith.constant dense<0.000000e+00> : vector<1024xf32>
    %reduce_sum3A_185 = vector.multi_reduction <add>, %mul3A_183, %reduce_sum3A_184 [1] : vector<1024x32xf32> to vector<1024xf32>
    %broadcast_in_dim3A_186 = vector.shape_cast %reduce_sum3A_185 : vector<1024xf32> to vector<1024x1xf32>
    %mul3A_187 = arith.mulf %sub3A_182, %sub3A_182 : vector<1024x32xf32>
    %reduce_sum3A_188 = arith.constant dense<0.000000e+00> : vector<1024xf32>
    %reduce_sum3A_189 = vector.multi_reduction <add>, %mul3A_187, %reduce_sum3A_188 [1] : vector<1024x32xf32> to vector<1024xf32>
    %broadcast_in_dim3A_190 = vector.shape_cast %reduce_sum3A_189 : vector<1024xf32> to vector<1024x1xf32>
    %get3A_191 = arith.constant 0 : index
    %get3A_192 = arith.constant 5 : index
    %get3A_193 = vector.load %arg3[%get3A_191, %get3A_192] : memref<1024x8xi32, #tpu.memory_space<vmem>>, vector<1024x1xi32>
    %get3A_194 = arith.constant 0 : index
    %get3A_195 = arith.constant 5 : index
    %get3A_196 = vector.load %arg4[%get3A_194, %get3A_195] : memref<1024x8xi32, #tpu.memory_space<vmem>>, vector<1024x1xi32>
    %lt3A_197 = arith.cmpf olt, %broadcast_in_dim3A_186, %broadcast_in_dim3A_190 : vector<1024x1xf32>
    %eq3A_198 = arith.cmpf oeq, %broadcast_in_dim3A_186, %broadcast_in_dim3A_190 : vector<1024x1xf32>
    %lt3A_199 = arith.cmpi slt, %get3A_193, %get3A_196 : vector<1024x1xi32>
    %and3A_200 = arith.andi %eq3A_198, %lt3A_199 : vector<1024x1xi1>
    %or3A_201 = arith.ori %lt3A_197, %and3A_200 : vector<1024x1xi1>
    %select_n3A_202 = arith.select %or3A_201, %get3A_193, %get3A_196 : vector<1024x1xi1>, vector<1024x1xi32>
    %broadcast_in_dim3A_203 = vector.shape_cast %or3A_201 : vector<1024x1xi1> to vector<1024x1xi1>
    %broadcast_in_dim3A_204 = vector.broadcast %broadcast_in_dim3A_203 : vector<1024x1xi1> to vector<1024x32xi1>
    %select_n3A_205 = arith.select %broadcast_in_dim3A_204, %get3A_175, %get3A_180 : vector<1024x32xi1>, vector<1024x32xf32>
    %add3A_206 = arith.addf %add3A_170, %select_n3A_205 : vector<1024x32xf32>
    %get3A_207 = arith.constant 6 : index
    %get3A_208 = arith.constant 0 : index
    %get3A_209 = arith.constant 0 : index
    %get3A_210 = vector.load %arg1[%get3A_207, %get3A_208, %get3A_209] : memref<8x1024x32xf32, #tpu.memory_space<vmem>>, vector<1x1024x32xf32>
    %get3A_211 = vector.shape_cast %get3A_210 : vector<1x1024x32xf32> to vector<1024x32xf32>
    %get3A_212 = arith.constant 6 : index
    %get3A_213 = arith.constant 0 : index
    %get3A_214 = arith.constant 0 : index
    %get3A_215 = vector.load %arg2[%get3A_212, %get3A_213, %get3A_214] : memref<8x1024x32xf32, #tpu.memory_space<vmem>>, vector<1x1024x32xf32>
    %get3A_216 = vector.shape_cast %get3A_215 : vector<1x1024x32xf32> to vector<1024x32xf32>
    %sub3A_217 = arith.subf %get3A_1, %get3A_211 : vector<1024x32xf32>
    %sub3A_218 = arith.subf %get3A_1, %get3A_216 : vector<1024x32xf32>
    %mul3A_219 = arith.mulf %sub3A_217, %sub3A_217 : vector<1024x32xf32>
    %reduce_sum3A_220 = arith.constant dense<0.000000e+00> : vector<1024xf32>
    %reduce_sum3A_221 = vector.multi_reduction <add>, %mul3A_219, %reduce_sum3A_220 [1] : vector<1024x32xf32> to vector<1024xf32>
    %broadcast_in_dim3A_222 = vector.shape_cast %reduce_sum3A_221 : vector<1024xf32> to vector<1024x1xf32>
    %mul3A_223 = arith.mulf %sub3A_218, %sub3A_218 : vector<1024x32xf32>
    %reduce_sum3A_224 = arith.constant dense<0.000000e+00> : vector<1024xf32>
    %reduce_sum3A_225 = vector.multi_reduction <add>, %mul3A_223, %reduce_sum3A_224 [1] : vector<1024x32xf32> to vector<1024xf32>
    %broadcast_in_dim3A_226 = vector.shape_cast %reduce_sum3A_225 : vector<1024xf32> to vector<1024x1xf32>
    %get3A_227 = arith.constant 0 : index
    %get3A_228 = arith.constant 6 : index
    %get3A_229 = vector.load %arg3[%get3A_227, %get3A_228] : memref<1024x8xi32, #tpu.memory_space<vmem>>, vector<1024x1xi32>
    %get3A_230 = arith.constant 0 : index
    %get3A_231 = arith.constant 6 : index
    %get3A_232 = vector.load %arg4[%get3A_230, %get3A_231] : memref<1024x8xi32, #tpu.memory_space<vmem>>, vector<1024x1xi32>
    %lt3A_233 = arith.cmpf olt, %broadcast_in_dim3A_222, %broadcast_in_dim3A_226 : vector<1024x1xf32>
    %eq3A_234 = arith.cmpf oeq, %broadcast_in_dim3A_222, %broadcast_in_dim3A_226 : vector<1024x1xf32>
    %lt3A_235 = arith.cmpi slt, %get3A_229, %get3A_232 : vector<1024x1xi32>
    %and3A_236 = arith.andi %eq3A_234, %lt3A_235 : vector<1024x1xi1>
    %or3A_237 = arith.ori %lt3A_233, %and3A_236 : vector<1024x1xi1>
    %select_n3A_238 = arith.select %or3A_237, %get3A_229, %get3A_232 : vector<1024x1xi1>, vector<1024x1xi32>
    %broadcast_in_dim3A_239 = vector.shape_cast %or3A_237 : vector<1024x1xi1> to vector<1024x1xi1>
    %broadcast_in_dim3A_240 = vector.broadcast %broadcast_in_dim3A_239 : vector<1024x1xi1> to vector<1024x32xi1>
    %select_n3A_241 = arith.select %broadcast_in_dim3A_240, %get3A_211, %get3A_216 : vector<1024x32xi1>, vector<1024x32xf32>
    %add3A_242 = arith.addf %add3A_206, %select_n3A_241 : vector<1024x32xf32>
    %get3A_243 = arith.constant 7 : index
    %get3A_244 = arith.constant 0 : index
    %get3A_245 = arith.constant 0 : index
    %get3A_246 = vector.load %arg1[%get3A_243, %get3A_244, %get3A_245] : memref<8x1024x32xf32, #tpu.memory_space<vmem>>, vector<1x1024x32xf32>
    %get3A_247 = vector.shape_cast %get3A_246 : vector<1x1024x32xf32> to vector<1024x32xf32>
    %get3A_248 = arith.constant 7 : index
    %get3A_249 = arith.constant 0 : index
    %get3A_250 = arith.constant 0 : index
    %get3A_251 = vector.load %arg2[%get3A_248, %get3A_249, %get3A_250] : memref<8x1024x32xf32, #tpu.memory_space<vmem>>, vector<1x1024x32xf32>
    %get3A_252 = vector.shape_cast %get3A_251 : vector<1x1024x32xf32> to vector<1024x32xf32>
    %sub3A_253 = arith.subf %get3A_1, %get3A_247 : vector<1024x32xf32>
    %sub3A_254 = arith.subf %get3A_1, %get3A_252 : vector<1024x32xf32>
    %mul3A_255 = arith.mulf %sub3A_253, %sub3A_253 : vector<1024x32xf32>
    %reduce_sum3A_256 = arith.constant dense<0.000000e+00> : vector<1024xf32>
    %reduce_sum3A_257 = vector.multi_reduction <add>, %mul3A_255, %reduce_sum3A_256 [1] : vector<1024x32xf32> to vector<1024xf32>
    %broadcast_in_dim3A_258 = vector.shape_cast %reduce_sum3A_257 : vector<1024xf32> to vector<1024x1xf32>
    %mul3A_259 = arith.mulf %sub3A_254, %sub3A_254 : vector<1024x32xf32>
    %reduce_sum3A_260 = arith.constant dense<0.000000e+00> : vector<1024xf32>
    %reduce_sum3A_261 = vector.multi_reduction <add>, %mul3A_259, %reduce_sum3A_260 [1] : vector<1024x32xf32> to vector<1024xf32>
    %broadcast_in_dim3A_262 = vector.shape_cast %reduce_sum3A_261 : vector<1024xf32> to vector<1024x1xf32>
    %get3A_263 = arith.constant 0 : index
    %get3A_264 = arith.constant 7 : index
    %get3A_265 = vector.load %arg3[%get3A_263, %get3A_264] : memref<1024x8xi32, #tpu.memory_space<vmem>>, vector<1024x1xi32>
    %get3A_266 = arith.constant 0 : index
    %get3A_267 = arith.constant 7 : index
    %get3A_268 = vector.load %arg4[%get3A_266, %get3A_267] : memref<1024x8xi32, #tpu.memory_space<vmem>>, vector<1024x1xi32>
    %lt3A_269 = arith.cmpf olt, %broadcast_in_dim3A_258, %broadcast_in_dim3A_262 : vector<1024x1xf32>
    %eq3A_270 = arith.cmpf oeq, %broadcast_in_dim3A_258, %broadcast_in_dim3A_262 : vector<1024x1xf32>
    %lt3A_271 = arith.cmpi slt, %get3A_265, %get3A_268 : vector<1024x1xi32>
    %and3A_272 = arith.andi %eq3A_270, %lt3A_271 : vector<1024x1xi1>
    %or3A_273 = arith.ori %lt3A_269, %and3A_272 : vector<1024x1xi1>
    %select_n3A_274 = arith.select %or3A_273, %get3A_265, %get3A_268 : vector<1024x1xi1>, vector<1024x1xi32>
    %broadcast_in_dim3A_275 = vector.shape_cast %or3A_273 : vector<1024x1xi1> to vector<1024x1xi1>
    %broadcast_in_dim3A_276 = vector.broadcast %broadcast_in_dim3A_275 : vector<1024x1xi1> to vector<1024x32xi1>
    %select_n3A_277 = arith.select %broadcast_in_dim3A_276, %get3A_247, %get3A_252 : vector<1024x32xi1>, vector<1024x32xf32>
    %add3A_278 = arith.addf %add3A_242, %select_n3A_277 : vector<1024x32xf32>
    %concatenate3A = tpu.concatenate %select_n3A, %select_n3A_59, %select_n3A_94, %select_n3A_130, %select_n3A_166, %select_n3A_202, %select_n3A_238, %select_n3A_274 in 1 : vector<1024x1xi32>, vector<1024x1xi32>, vector<1024x1xi32>, vector<1024x1xi32>, vector<1024x1xi32>, vector<1024x1xi32>, vector<1024x1xi32>, vector<1024x1xi32> -> vector<1024x8xi32>
    %swap3A = arith.constant 0 : index
    %swap3A_279 = arith.constant 0 : index
    %swap3A_280 = vector.load %arg5[%swap3A, %swap3A_279] : memref<1024x8xi32, #tpu.memory_space<vmem>>, vector<1024x8xi32>
    tpu.vector_store %arg5[%swap3A, %swap3A_279], %concatenate3A {strides = array<i32>} : memref<1024x8xi32, #tpu.memory_space<vmem>>, vector<1024x8xi32>,
    %sub3A_281 = arith.subf %add3A_278, %get3A_1 : vector<1024x32xf32>
    %add3A_282 = arith.addf %get3A_1, %sub3A_281 : vector<1024x32xf32>
    %swap3A_283 = arith.constant 0 : index
    %swap3A_284 = arith.constant 0 : index
    %swap3A_285 = vector.load %arg6[%swap3A_283, %swap3A_284] : memref<1024x32xf32, #tpu.memory_space<vmem>>, vector<1024x32xf32>
    tpu.vector_store %arg6[%swap3A_283, %swap3A_284], %add3A_282 {strides = array<i32>} : memref<1024x32xf32, #tpu.memory_space<vmem>>, vector<1024x32xf32>,
    %mul3A_286 = arith.mulf %sub3A_281, %sub3A_281 : vector<1024x32xf32>
    %reduce_sum3A_287 = vector.shape_cast %mul3A_286 : vector<1024x32xf32> to vector<1x1024x32xf32>
    %reduce_sum3A_288 = arith.constant dense<0.000000e+00> : vector<1xf32>
    %reduce_sum3A_289 = vector.multi_reduction <add>, %reduce_sum3A_287, %reduce_sum3A_288 [1, 2] : vector<1x1024x32xf32> to vector<1xf32>
    %reduce_sum3A_290 = vector.shape_cast %reduce_sum3A_289 : vector<1xf32> to vector<1x1x1xf32>
    %reduce_sum3A_291 = vector.extract %reduce_sum3A_290[0, 0, 0] : f32 from vector<1x1x1xf32>
    %mul3A_292 = arith.constant 6.10351563E-5 : f32
    %mul3A_293 = arith.mulf %reduce_sum3A_291, %mul3A_292 : f32
    %swap3A_294 = arith.constant 0 : index
    %swap3A_295 = arith.constant 0 : index
    %swap3A_296 = memref.load %arg7[%swap3A_294, %swap3A_295] : memref<1x1xf32, #tpu.memory_space<smem>>
    memref.store %mul3A_293, %arg7[%swap3A_294, %swap3A_295] : memref<1x1xf32, #tpu.memory_space<smem>>
    return
  }
}

</mosaic_0001>

<sc_bundles>
// kernel: kernel.5.cloned.1.call-start
scs
__scs_entry_jumppad:
0x0: {  	(pc) =	sbr.rel $0x88, $3  }
0x1: {  	(tag) =	ssettag $0x0;
	lr =	simm.s32 $0x1  }
0x2: {  	[smem:$0x3F9F] =	sst lr;
	_ =	strace $0xD0000000  }
0x3: {  	_ = 	snop  }
0x4: {  	_ = 	snop  }
0x5: {  	_ = 	snop  }
0x6: {  	_ = 	snop  }
0x7: {  	_ = 	snop  }
__scs_overlays_trampoline_lowered:
0x8: {  	[smem:$0x3FAE] =	sst s0  }
0x9: {  	[smem:$0x3FAF] =	sst s1  }
0xa: {  	[smem:$0x3FB0] =	sst s2  }
0xb: {  	[smem:$0x3FB1] =	sst s3  }
0xc: {  	[smem:$0x3FB2] =	sst s4  }
0xd: {  	[smem:$0x3FB3] =	sst s5  }
0xe: {  	[smem:$0x3FB4] =	sst s6  }
0xf: {  	[smem:$0x3FB5] =	sst s7  }
0x10: {  	[smem:$0x3FB6] =	sst s8  }
0x11: {  	[smem:$0x3FB7] =	sst s9;
	s0 =	simm.s32 @!p0 $0x0  }
0x12: {  	s1 =	sld [smem:$0x3F9D];
	s0 =	simm.s32 @p0 $0x1  }
0x13: {  	[smem:$0x3FB8] =	sst s0;
	s0 =	simm.s32 @!p1 $0x0  }
0x14: {  	s2 =	sld [smem:$0x3F9C];
	s0 =	simm.s32 @p1 $0x1  }
0x15: {  	[smem:$0x3FB9] =	sst s0;
	s0 =	simm.s32 @!p2 $0x0  }
0x16: {  	s3 =	sld [smem:$0x3FDB];
	s0 =	simm.s32 @p2 $0x1  }
0x17: {  	s4 =	simm.s32 $0x1BF5;
	[smem:$0x3FBB] =	sst s0  }
0x18: {  	s0 =	sld [smem:$0x3F9E];
	_ =	swait.ge [sflag:s4], $0x0  }
0x19: {  	s7 =	sld [smem:$0x3F9F]  }
0x1a: {  	s8 =	sadd.s32 $0xFFFFE003, lr  }
0x1b: {  	s9 =	sadd.s32 $0xFFFFFEF7, lr;
	s5 =	simm.s32 $0xFFFFFFFF;
	p2 =	slt.u32 s8, $0xFFFFF086  }
0x1c: {  	p1 =	slt.u32 s9, $0xF7A;
	s5 =	simm.s32 @!p2 $0x0  }
0x1d: {  	s5 =	simm.s32 @p1 $0x1;
	p0 =	seq.s32 s7, s2  }
0x1e: {  	s7 =	smul.u32 @!p0 $0xF7A, s2;
	p2 =	seq.s32 @!p0 s5, $0x0  }
0x1f: {  	s9 =	smul.u32 $0xF7A, s1;
	s8 =	simm.s32 @!p0 $0x1BF5;
	p2 =	por !p2, p0  }
0x20: {  	[sflag:s8] =	ssyncset.s32 @!p0 $0xFFFFF086;
	s6 =	sadd.s32 @!p0 s3, s7;
	s7 =	simm.s32 @!p0 $0x108  }
0x21: {  	s3 =	sadd.s32 s3, s9;
	s6 =	sadd.s32 @!p0 $0x88, s6;
	s7 =	simm.s32 @p2 $0x1082  }
0x22: {  	[simem:s7], [sflag:s8] =	dma.local @!p0 [hbm:s6], $0xF7A  }
0x23: {  	s9 =	sor.u32 $0xD0000000, s2;
	s6 =	simm.s32 $0x108;
	_ =	swait.ge @!p0 [sflag:s8], $0x0  }
0x24: {  	s3 =	sadd.s32 $0x88, s3;
	s6 =	simm.s32 @!p1 $0x1082;
	[sflag:s4] =	ssyncset.s32 $0xFFFFF086  }
0x25: {  	[simem:s6], [sflag:s4] =	dma.local [hbm:s3], $0xF7A  }
0x26: {  	[smem:$0x3F9F] =	sst s1;
	(tag) =	ssettag s2;
	_ =	strace s9  }
0x27: {  	s1 =	sld [smem:$0x3FAF]  }
0x28: {  	s2 =	sld [smem:$0x3FB0]  }
0x29: {  	s4 =	sld [smem:$0x3FB2]  }
0x2a: {  	p0 =	seq.s32 s5, $0x0;
	s5 =	sld [smem:$0x3FB3]  }
0x2b: {  	s6 =	sld [smem:$0x3FB4]  }
0x2c: {  	s7 =	sld [smem:$0x3FB5]  }
0x2d: {  	s3 =	simm.s32 $0x108;
	s8 =	sld [smem:$0x3FB6]  }
0x2e: {  	s3 =	simm.s32 @!p0 $0x1082;
	s9 =	sld [smem:$0x3FB7]  }
0x2f: {  	lr =	sadd.s32 s0, s3;
	s0 =	sld [smem:$0x3FAE]  }
0x30: {  	s3 =	sld [smem:$0x3FB1]  }
0x31: {  	[smem:$0x3FBA] =	sst s10  }
0x32: {  	s10 =	sld [smem:$0x3FB8];
	_ =	sdelay $0x3  }
0x33: {  	p0 =	seq.s32 s10, $0x1;
	s10 =	sld [smem:$0x3FBA];
	_ =	sdelay $0x3  }
0x34: {  	[smem:$0x3FBA] =	sst s10  }
0x35: {  	s10 =	sld [smem:$0x3FB9];
	_ =	sdelay $0x3  }
0x36: {  	p1 =	seq.s32 s10, $0x1;
	s10 =	sld [smem:$0x3FBA];
	_ =	sdelay $0x3  }
0x37: {  	[smem:$0x3FBA] =	sst s10  }
0x38: {  	s10 =	sld [smem:$0x3FBB]  }
0x39: {  	_ = 	snop;
	(pc) =	sbr.ind lr, $3  }
0x3a: {  	_ = 	snop  }
0x3b: {  	_ = 	snop  }
0x3c: {  	p2 =	seq.s32 s10, $0x1;
	s10 =	sld [smem:$0x3FBA]  }
0x3d: {  	_ =	shalt  }
0x3e: {  	_ =	shalt  }
0x3f: {  	_ =	shalt  }
0x40: {  	_ =	shalt  }
0x41: {  	_ =	shalt  }
0x42: {  	_ =	shalt  }
0x43: {  	_ =	shalt  }
0x44: {  	_ =	shalt  }
0x45: {  	_ =	shalt  }
0x46: {  	_ =	shalt  }
0x47: {  	_ =	shalt  }
0x48: {  	_ =	shalt  }
0x49: {  	_ =	shalt  }
0x4a: {  	_ =	shalt  }
0x4b: {  	_ =	shalt  }
0x4c: {  	_ =	shalt  }
0x4d: {  	_ =	shalt  }
0x4e: {  	_ =	shalt  }
0x4f: {  	_ =	shalt  }
0x50: {  	_ =	shalt  }
0x51: {  	_ =	shalt  }
0x52: {  	_ =	shalt  }
0x53: {  	_ =	shalt  }
0x54: {  	_ =	shalt  }
0x55: {  	_ =	shalt  }
0x56: {  	_ =	shalt  }
0x57: {  	_ =	shalt  }
0x58: {  	_ =	shalt  }
0x59: {  	_ =	shalt  }
0x5a: {  	_ =	shalt  }
0x5b: {  	_ =	shalt  }
0x5c: {  	_ =	shalt  }
0x5d: {  	_ =	shalt  }
0x5e: {  	_ =	shalt  }
0x5f: {  	_ =	shalt  }
0x60: {  	_ =	shalt  }
0x61: {  	_ =	shalt  }
0x62: {  	_ =	shalt  }
0x63: {  	_ =	shalt  }
0x64: {  	_ =	shalt  }
0x65: {  	_ =	shalt  }
0x66: {  	_ =	shalt  }
0x67: {  	_ =	shalt  }
0x68: {  	_ =	shalt  }
0x69: {  	_ =	shalt  }
0x6a: {  	_ =	shalt  }
0x6b: {  	_ =	shalt  }
0x6c: {  	_ =	shalt  }
0x6d: {  	_ =	shalt  }
0x6e: {  	_ =	shalt  }
0x6f: {  	_ =	shalt  }
0x70: {  	_ =	shalt  }
0x71: {  	_ =	shalt  }
0x72: {  	_ =	shalt  }
0x73: {  	_ =	shalt  }
0x74: {  	_ =	shalt  }
0x75: {  	_ =	shalt  }
0x76: {  	_ =	shalt  }
0x77: {  	_ =	shalt  }
0x78: {  	_ =	shalt  }
0x79: {  	_ =	shalt  }
0x7a: {  	_ =	shalt  }
0x7b: {  	_ =	shalt  }
0x7c: {  	_ =	shalt  }
0x7d: {  	_ =	shalt  }
0x7e: {  	_ =	shalt  }
0x7f: {  	_ =	shalt  }
0x80: {  	_ =	shalt  }
0x81: {  	_ =	shalt  }
0x82: {  	_ =	shalt  }
0x83: {  	_ =	shalt  }
0x84: {  	_ =	shalt  }
0x85: {  	_ =	shalt  }
0x86: {  	_ =	shalt  }
0x87: {  	_ =	shalt  }
.Lfunc_end0:
.L_simem_size_0:
called_computation_lowered:
.L_overlay_start_0:
0x88: {  	s2 =	sld [smem:$0x3FD9]  }
0x89: {  	s3 =	sld [smem:$0x3FFE];
	_ =	sdelay $0x1  }
0x8a: {  	s1 =	srdreg.scid  }
0x8b: {  	s0 =	sand.u32 $0x1, s1  }
0x8c: {  	s14 =	sshll.u32 s0, $0xA;
	s2 =	sadd.s32 s3, s2  }
0x8d: {  	s2 =	sadd.s32 s2, s14  }
0x8e: {  	[smem:$0x3FC6] =	sst s2  }
0x8f: {  	_ = 	snop  }
0x90: {  	s2 =	sld [smem:$0x3FD0];
	_ =	sdelay $0x2  }
0x91: {  	s15 =	simm.s32 $0xA;
	s4 =	simm.s32 $0x10  }
0x92: {  	[smem:s4], [sflag:s15] =	dma.local [hbm:s2], $0x1  }
0x93: {  	_ =	swait.eq [sflag:s15], $0x1  }
0x94: {  	[sflag:s15] =	ssyncset.done $0x0  }
0x95: {  	[sflag:s15] =	ssyncadd.s32 $0xFFFFFFFF  }
0x96: {  	s16 =	sld [smem:$0x10];
	(tm) =	ssettm $0x1  }
0x97: {  	s17 =	sld [smem:$0x3FFB];
	_ =	sdelay $0x3  }
0x98: {  	_ =	strace s17  }
0x99: {  	s3 =	sld [smem:$0x3FFC];
	_ =	sdelay $0x3  }
0x9a: {  	_ =	strace s3  }
0x9b: {  	s3 =	sld [smem:$0x3FFD];
	_ =	sdelay $0x3  }
0x9c: {  	_ =	strace s3  }
0x9d: {  	_ =	strace $0x8FFFFFFF  }
0x9e: {  	s18 =	sld [smem:$0x3FDB];
	_ =	sdelay $0x1  }
0x9f: {  	s19 =	simm.s32 $_scs_section_size  }
0xa0: {  	s5 =	simm.s32 $_size__tile_overlayer_lowered;
	s6 =	simm.s32 $_tile_overlayer_lowered  }
0xa1: {  	s22 =	simm.s32 $0x1BFF;
	s21 =	sshll.u32 s6, $0x1;
	s3 =	sadd.s32 s19, s18  }
0xa2: {  	s7 =	simm.s32 $0x0;
	s20 =	sshll.u32 s5, $0x1;
	s5 =	sadd.s32 s21, s3  }
0xa3: {  	[timem:s7], [sflag:s22] =	dma.local [hbm:s5], s20  }
0xa4: {  	_ =	swait.ge [sflag:s22], s20  }
0xa5: {  	s4 =	ssub.s32 $0x0, s20;
	[sflag:s22] =	ssyncset.done $0x0  }
0xa6: {  	[sflag:s22] =	ssyncadd.s32 s4;
	_ =	sdelay $0x1  }
0xa7: {  	s23 =	simm.s32 $0x1B8B  }
0xa8: {  	_ =	swait.ge [sflag:s23], $0x1  }
0xa9: {  	[sflag:s23] =	ssyncset.done $0x0  }
0xaa: {  	s25 =	simm.s32 $0x1B8E;
	s24 =	sld [smem:$0x3FFE];
	[sflag:s23] =	ssyncadd.s32 $0xFFFFFFFF  }
0xab: {  	s26 =	simm.s32 $execute0_lowered;
	[smem:$0x3FD2] =	sst s25  }
0xac: {  	s5 =	sshll.u32 s26, $0x1;
	_ =	strace $0x80000046;
	[dreg:$0x1] =	wrdreg $0xFFFFFFFF  }
0xad: {  	s28 =	simm.s32 $_size_execute0_lowered;
	s3 =	sadd.s32 s3, s5;
	[dreg:$0x0] =	wrdreg $0x0  }
0xae: {  	s5 =	sshll.u32 s28, $0x1;
	[dreg:$0x2] =	wrdreg s3  }
0xaf: {  	[dreg:$0x3] =	wrdreg s5  }
0xb0: {  	[dreg:$0x4] =	wrdreg $0xC0  }
0xb1: {  	_ =	task [dreg:s7], $0x5FFFF  }
0xb2: {  	[dreg:$0x1] =	wrdreg $0xFFFFFFFF  }
0xb3: {  	[dreg:$0x0] =	wrdreg $0x60  }
0xb4: {  	[dreg:$0x2] =	wrdreg s24  }
0xb5: {  	[dreg:$0x3] =	wrdreg s16  }
0xb6: {  	[dreg:$0x4] =	wrdreg $0x9  }
0xb7: {  	_ =	task.clear_ibuf [dreg:s7], $0x5FFFF;
	_ =	strace $0x90000046  }
0xb8: {  	s29 =	simm.s32 $0x9;
	_ =	strace $0x80000048  }
0xb9: {  	_ =	swait.ge [sflag:s29], $0x1  }
0xba: {  	[sflag:s29] =	ssyncadd.s32 $0xFFFFFFFF  }
0xbb: {  	_ =	strace $0x90000048  }
0xbc: {  	_ =	sfence  }
0xbd: {  	s30 =	sld [smem:$0x0];
	_ =	sdelay $0x2  }
0xbe: {  	s31 =	sshll.u32 s1, $0xD;
	s1 =	sshrl.u32 s1, $0x2  }
0xbf: {  	s3 =	sand.u32 $0x4000, s31;
	s1 =	sadd.s32 s1, s30  }
0xc0: {  	s0 =	sor.u32 s3, s0;
	s1 =	sshll.u32 s1, $0x11  }
0xc1: {  	s0 =	sor.u32 s1, s0  }
0xc2: {  	s0 =	sadd.s32 $0x8F2B, s0  }
0xc3: {  	[sflag:s0] =	ssyncadd.remote.s32 $0x1  }
0xc4: {  	_ =	sfence.sel $0xFFFF  }
0xc5: {  	[dreg:$0x0] =	wrdreg $0xFFFFFFFF;
	(pc) =	sbr.abs _section_cstart, $3  }
0xc6: {  	[dreg:$0x1] =	wrdreg $0xFFFFFFFF  }
0xc7: {  	_ =	task.clear_ibuf [dreg:s7], $0x2FFFF;
	_ =	strace $0x9FFFFFFF  }
0xc8: {  	(tm) =	ssettm $0x7FFFFFFF  }
0xc9: {  	_ =	shalt  }
tec
execute0_lowered:
.L_overlay_start_1:
0x0: {  	(tag) =	ssettag $0x1  }
0x1: {  	s1 =	srdreg.scid  }
0x2: {  	s8 =	rddreg [dreg:$0x0];
	s0 =	stileid.u32  }
0x3: {  	s3 =	rddreg [dreg:$0x1];
	s2 =	simm.s32 $0x0;
	s6 =	sand.u32 $0x1, s1  }
0x4: {  	s4 =	sshll.u32 s0, $0xA;
	s1 =	rddreg [dreg:$0x2];
	s5 =	sshll.u32 s6, $0x9  }
0x5: {  	s7 =	simm.s32 $0x1;
	[smem:$0x7FF] =	sst s2;
	s9 =	sor.u32 s5, s4  }
0x6: {  	_ =	strace $0x80000047;
	s10 =	ssub.s32 $0x2, s6;
	s4 =	sshrl.u32 s9, $0x3  }
0x7: {  	s6 =	simm.s32 $0x200;
	s4 =	sadd.s32 s3, s4;
	s3 =	simm.s32 $0x2  }
0x8: {  	[tilespmem:s2], [sflag:$0x2] =	stream.linear.gather [hbm4b:s4+s2], $0x200, $0x38;
	[tilespmem:$0x4200] =	vst v63  }
0x9: {  	s5 =	sadd.s32 $0xC00, s8;
	s11 =	sshrl.u32 s10, $0x1;
	_ =	swait.ge [sflag:s3], $0x200  }
0xa: {  	s9 =	sshll.u32 s9, $0x2;
	s31 =	ssub.s32 s10, s11;
	[sflag:s3] =	ssyncset.done $0x0  }
0xb: {  	s8 =	sadd.s32 s9, s8;
	s9 =	smax.u32 s31, $0x1;
	[sflag:s3] =	ssyncadd.s32 $0xFFFFFE00  }
0xc: {  	[tilespmem:s6], [sflag:$0x1] =	stream.indirect.gather [hbm4b:s5+s6], $0x20, s2, s6, $0xb8;
	[tilespmem:$0x4200] =	vst v63  }
0xd: {  	p0 =	sne.s32 s9, $0x1;
	_ =	swait.ge [sflag:s7], $0x4000  }
.Ltmp0:
0xe: {  	[sflag:s7] =	ssyncset.done $0x0;
	(pc) =	sbr.rel @!p0 .LBB2_2-.Ltmp0, $4  }
0xf: {  	s8 =	sadd.s32 $0x4C00, s8;
	[sflag:s7] =	ssyncadd.s32 $0xFFFFC000  }
0x10: {  	[hbm4b:s8+s2] =	stream.linear.scatter [tilespmem:s6], [sflag:$0x2], $0x4000, $0x38;
	[tilespmem:$0x4200] =	vst v63  }
0x11: {  	_ =	swait.ge [sflag:s3], $0x4000  }
0x12: {  	s9 =	sadd.s32 $0xFFFFFFFF, s9;
	[sflag:s3] =	ssyncset.done $0x0  }
.LBB2_1:
0x13: {  	p0 =	sne.s32 s9, $0x1;
	s9 =	sadd.s32 $0xFFFFFFFF, s9;
	[sflag:s3] =	ssyncadd.s32 $0xFFFFC000  }
0x14: {  	[tilespmem:s2], [sflag:$0x2] =	stream.linear.gather [hbm4b:s4+s2], $0x200, $0x38;
	[tilespmem:$0x4200] =	vst v63  }
0x15: {  	_ =	swait.ge [sflag:s3], $0x200  }
0x16: {  	[sflag:s3] =	ssyncset.done $0x0  }
0x17: {  	[sflag:s3] =	ssyncadd.s32 $0xFFFFFE00  }
0x18: {  	[tilespmem:s6], [sflag:$0x1] =	stream.indirect.gather [hbm4b:s5+s6], $0x20, s2, s6, $0xb8;
	[tilespmem:$0x4200] =	vst v63  }
0x19: {  	_ =	swait.ge [sflag:s7], $0x4000  }
.Ltmp1:
0x1a: {  	[sflag:s7] =	ssyncset.done $0x0;
	(pc) =	sbr.rel @p0 .LBB2_1-.Ltmp1, $4  }
0x1b: {  	[sflag:s7] =	ssyncadd.s32 $0xFFFFC000  }
0x1c: {  	[hbm4b:s8+s2] =	stream.linear.scatter [tilespmem:s6], [sflag:$0x2], $0x4000, $0x38;
	[tilespmem:$0x4200] =	vst v63  }
0x1d: {  	_ =	swait.ge [sflag:s3], $0x4000  }
0x1e: {  	[sflag:s3] =	ssyncset.done $0x0  }
.LBB2_2:
0x1f: {  	[sflag:s3] =	ssyncadd.s32 $0xFFFFC000  }
0x20: {  	_ =	sfence.sel $0x180000  }
0x21: {  	[bflag:$0x0] =	sbarrier.arrive $0xFFFF  }
0x22: {  	p0 =	sne.s32 s0, $0x0;
	_ =	strace $0x90000047  }
0x23: {  	s0 =	sadd.s32 @!p0 $0x100000, s1;
	[bflag:$0x2] =	sbarrier.arrive $0xFFFF  }
0x24: {  	[sflag:s0] =	ssyncadd.tile.s32 @!p0 $0x1;
	_ =	shalt  }
.Lfunc_end2:
_tile_overlayer_lowered:
.L_overlay_start_2:
0x25: {  	(tag) =	ssettag $0x2  }
0x26: {  	s0 =	rddreg [dreg:$0x0];
	s2 =	stileid.u32  }
0x27: {  	s1 =	rddreg [dreg:$0x1];
	p0 =	sne.s32 s2, $0x0  }
0x28: {  	s3 =	rddreg [dreg:$0x2];
	[bflag:$0x3] =	sbarrier.arrive $0xFFFF;
	s2 =	simm.s32 @!p0 $0x1C02  }
0x29: {  	[timem:s3], [sflag:s2] =	dma.local @!p0 [hbm:s0], s1  }
0x2a: {  	s0 =	simm.s32 @!p0 $0x2  }
0x2b: {  	_ =	swait.ge @!p0 [sflag:s0], s1  }
0x2c: {  	s1 =	ssub.s32 @!p0 $0x0, s1;
	[sflag:s0] =	ssyncset.done @!p0 $0x0  }
0x2d: {  	[sflag:s0] =	ssyncadd.s32 @!p0 s1  }
0x2e: {  	[bflag:$0x3] =	sbarrier.arrive $0xFFFF  }
0x2f: {  	_ =	shalt  }

</sc_bundles>
